<compile_context>
chip_gen: v7x
topology: tpu7x:2x2x1
jax: 0.10.2.dev20260603
libtpu: 0.0.44.dev20260713+nightly
codegen_flags: <defaults>
</compile_context>

<pallas_src>
import functools

import jax
import jax.numpy as jnp
import numpy as np
from jax import lax
from jax.experimental import pallas as pl
from jax.experimental.pallas import tpu as pltpu
from jax.experimental.pallas import tpu_sc as plsc

N_ATOMS = 50000
N_PAIRS = 1600000
D = 16

BA = 2000
BP = 2000

NC = 2
NS = 16
NW = NC * NS

GCHUNK = 1000
SCHUNK = 400
ZROWS = 400


def _tc1_body(p1_ref, p348_ref,
              W0_ref, b0_ref, W1_ref, b1_ref, Wpi_a_ref, Wpi_b_ref,
              Wpp3_ref, Wpix_i_ref, Wpix_j_ref,
              ta_ref, tb_ref):
    f32 = jnp.float32

    def mm(a, b):
        return jnp.dot(a, b, preferred_element_type=f32)

    p1 = p1_ref[...]
    h = jnp.tanh(mm(p1, W0_ref[...]) + b0_ref[...])
    p1a = jnp.tanh(mm(h, W1_ref[...]) + b1_ref[...])
    A = mm(p1a, Wpi_a_ref[...])
    B = mm(p1a, Wpi_b_ref[...])
    Wci = mm(Wpp3_ref[...], Wpix_i_ref[...])
    Wcj = mm(Wpp3_ref[...], Wpix_j_ref[...])
    p348 = p348_ref[...]
    pi_parts = [A]
    pj_parts = [B]
    for x in range(3):
        blk = p348[:, x * D:(x + 1) * D]
        pi_parts.append(mm(blk, Wci))
        pj_parts.append(mm(blk, Wcj))
    ta_ref[...] = jnp.concatenate(pi_parts, axis=1)
    tb_ref[...] = jnp.concatenate(pj_parts, axis=1)


def _tc1(p1, p348, W0, b0, W1, b1, Wpi_a, Wpi_b, Wpp3c, Wpix_i, Wpix_j):
    n = p1.shape[0]
    grid = n // BA
    row = lambda i: (i, 0)
    w_spec = pl.BlockSpec((D, D), lambda i: (0, 0))
    b_spec = pl.BlockSpec((1, D), lambda i: (0, 0))
    return pl.pallas_call(
        _tc1_body,
        grid=(grid,),
        in_specs=[
            pl.BlockSpec((BA, D), row),
            pl.BlockSpec((BA, 3 * D), row),
            w_spec, b_spec, w_spec, b_spec, w_spec, w_spec,
            w_spec, w_spec, w_spec,
        ],
        out_specs=[
            pl.BlockSpec((BA, 4 * D), row),
            pl.BlockSpec((BA, 4 * D), row),
        ],
        out_shape=[
            jax.ShapeDtypeStruct((n, 4 * D), jnp.float32),
            jax.ShapeDtypeStruct((n, 4 * D), jnp.float32),
        ],
    )(p1, p348, W0, b0, W1, b1, Wpi_a, Wpi_b, Wpp3c, Wpix_i, Wpix_j)



def _sc_gather(ta, tb, idx_i, idx_j):
    n_pairs = idx_i.shape[0]
    per_w = n_pairs // NW
    iters = per_w // GCHUNK
    mesh = plsc.VectorSubcoreMesh(core_axis_name="c", subcore_axis_name="s")

    @functools.partial(
        pl.kernel,
        out_type=[jax.ShapeDtypeStruct((n_pairs, 4 * D), jnp.float32),
                  jax.ShapeDtypeStruct((n_pairs, 4 * D), jnp.float32)],
        mesh=mesh,
        scratch_types=[
            pltpu.VMEM((GCHUNK,), jnp.int32),
            pltpu.VMEM((GCHUNK,), jnp.int32),
            pltpu.VMEM((GCHUNK, 4 * D), jnp.float32),
            pltpu.VMEM((GCHUNK, 4 * D), jnp.float32),
            pltpu.SemaphoreType.DMA,
            pltpu.SemaphoreType.DMA,
        ],
        compiler_params=pltpu.CompilerParams(use_tc_tiling_on_sc=False),
    )
    def k(ta_hbm, tb_hbm, ii_hbm, ij_hbm, gi_hbm, gj_hbm,
          ii_v, ij_v, ri_v, rj_v, sem1, sem2):
        wid = lax.axis_index("s") * NC + lax.axis_index("c")
        base0 = wid * per_w

        def body(it, carry):
            base = pl.multiple_of(base0 + it * GCHUNK, 8)
            pltpu.sync_copy(ii_hbm.at[pl.ds(base, GCHUNK)], ii_v)
            pltpu.sync_copy(ij_hbm.at[pl.ds(base, GCHUNK)], ij_v)
            c1 = pltpu.async_copy(ta_hbm.at[ii_v], ri_v, sem1)
            c2 = pltpu.async_copy(tb_hbm.at[ij_v], rj_v, sem2)
            c1.wait()
            c2.wait()
            pltpu.sync_copy(ri_v, gi_hbm.at[pl.ds(base, GCHUNK)])
            pltpu.sync_copy(rj_v, gj_hbm.at[pl.ds(base, GCHUNK)])
            return carry

        lax.fori_loop(0, iters, body, 0)

    return k(ta, tb, idx_i, idx_j)



def _tc2_body(gi_ref, gj_ref, diff_ref, basis_ref,
              Wpi1_ref, bpi0_ref, bpi1_ref, W2_ref, Wii1_ref,
              E1_ref, TB_ref, TD_ref, M1_ref, M3_ref,
              UO_ref, UI_ref, U1_ref,
              u0_ref, u1_ref):
    f32 = jnp.float32

    def mm(a, b):
        return jnp.dot(a, b, preferred_element_type=f32)

    g = gi_ref[...] + gj_ref[...]
    t1 = jnp.tanh(mm(g, E1_ref[...]) + bpi0_ref[...])
    inter = jnp.tanh(mm(t1, Wpi1_ref[...]) + bpi1_ref[...])
    bt = mm(basis_ref[...], TB_ref[...])
    z = inter * bt
    t2 = jnp.tanh(mm(z, W2_ref[...]))
    i1f = jnp.tanh(mm(t2, Wii1_ref[...]))
    dexp = mm(diff_ref[...], TD_ref[...])
    a3 = mm(i1f, M3_ref[...])
    a1 = mm(i1f, M1_ref[...])
    i3_64 = g * a3 + dexp * a1
    u0_ref[...] = mm(i1f, UO_ref[...]) + mm(i3_64, UI_ref[...])
    u1_ref[...] = mm(i3_64, U1_ref[...])


def _tc2(gi, gj, diff, basis, Wpi1, bpi0, bpi1, W2, Wii1, consts):
    n = gi.shape[0]
    grid = n // BP
    row = lambda i: (i, 0)

    def full(a):
        return pl.BlockSpec(a.shape, lambda i: (0,) * a.ndim)

    return pl.pallas_call(
        _tc2_body,
        grid=(grid,),
        in_specs=[
            pl.BlockSpec((BP, 4 * D), row),
            pl.BlockSpec((BP, 4 * D), row),
            pl.BlockSpec((BP, 3), row),
            pl.BlockSpec((BP, 4), row),
            full(Wpi1), full(bpi0), full(bpi1), full(W2), full(Wii1),
        ] + [full(c) for c in consts],
        out_specs=[
            pl.BlockSpec((BP, 2 * D), row),
            pl.BlockSpec((BP, 2 * D), row),
        ],
        out_shape=[
            jax.ShapeDtypeStruct((n, 2 * D), jnp.float32),
            jax.ShapeDtypeStruct((n, 2 * D), jnp.float32),
        ],
    )(gi, gj, diff, basis, Wpi1, bpi0, bpi1, W2, Wii1, *consts)


def _tc2_consts():
    E1 = np.zeros((4 * D, D), np.float32)
    for c in range(D):
        E1[c, c] = 1.0
    TB = np.zeros((4, 4 * D), np.float32)
    for l in range(4 * D):
        TB[l % 4, l] = 1.0
    TD = np.zeros((3, 4 * D), np.float32)
    for l in range(3 * D):
        TD[l // D, D + l] = 1.0
    M1 = np.zeros((3 * D, 4 * D), np.float32)
    M3 = np.zeros((3 * D, 4 * D), np.float32)
    for l in range(3 * D):
        M1[l % D, D + l] = 1.0
        M3[2 * D + l % D, D + l] = 1.0
    UO = np.zeros((3 * D, 2 * D), np.float32)
    for c in range(D):
        UO[D + c, c] = 1.0
    UI = np.zeros((4 * D, 2 * D), np.float32)
    for c in range(D):
        UI[D + c, D + c] = 1.0
    U1 = np.zeros((4 * D, 2 * D), np.float32)
    for c in range(2 * D):
        U1[2 * D + c, c] = 1.0
    return [jnp.asarray(x) for x in (E1, TB, TD, M1, M3, UO, UI, U1)]



def _sc_scatter(u0, u1, idx_i):
    n_pairs = idx_i.shape[0]
    per_tile = n_pairs // NS
    iters = per_tile // SCHUNK
    n_chunks = N_ATOMS // ZROWS
    chunks_per_tile = (n_chunks + NS - 1) // NS
    mesh = plsc.VectorSubcoreMesh(core_axis_name="c", subcore_axis_name="s")

    @functools.partial(
        pl.kernel,
        out_type=[jax.ShapeDtypeStruct((N_ATOMS, 2 * D), jnp.float32),
                  jax.ShapeDtypeStruct((N_ATOMS, 2 * D), jnp.float32)],
        mesh=mesh,
        scratch_types=[
            pltpu.VMEM((SCHUNK,), jnp.int32),
            pltpu.VMEM((SCHUNK,), jnp.int32),
            pltpu.VMEM((SCHUNK, 2 * D), jnp.float32),
            pltpu.VMEM((SCHUNK, 2 * D), jnp.float32),
            pltpu.VMEM_SHARED((N_ATOMS, 2 * D), jnp.float32),
            pltpu.SemaphoreType.DMA,
            pltpu.SemaphoreType.DMA,
        ],
        compiler_params=pltpu.CompilerParams(use_tc_tiling_on_sc=False),
    )
    def k(u0_hbm, u1_hbm, idx_hbm, out0_hbm, out1_hbm,
          idx0, idx1, val0, val1, acc_sh, p0, p1):
        c = lax.axis_index("c")
        s = lax.axis_index("s")
        idxb = (idx0, idx1)
        valb = (val0, val1)
        psem = (p0, p1)

        zero = jnp.zeros((D,), jnp.float32)

        def zbody(r, carry):
            val0[r, 0:D] = zero
            val0[r, D:2 * D] = zero
            return carry

        lax.fori_loop(0, SCHUNK, zbody, 0)

        def zchunk(kk, carry):
            ch = s + kk * NS

            @pl.when(ch < n_chunks)
            def _():
                r0 = pl.multiple_of(ch * ZROWS, 8)
                pltpu.sync_copy(val0, acc_sh.at[pl.ds(r0, ZROWS)])

            return carry

        lax.fori_loop(0, chunks_per_tile, zchunk, 0)
        plsc.subcore_barrier()

        def scatter_all(u_hbm):
            def run(it, carry):
                base = pl.multiple_of(s * per_tile + it * SCHUNK, 8)
                pltpu.sync_copy(idx_hbm.at[pl.ds(base, SCHUNK)], idx0)
                pltpu.sync_copy(u_hbm.at[pl.ds(base, SCHUNK)], val1)
                pltpu.sync_copy(val1, acc_sh.at[idx0], add=True)
                return carry

            lax.fori_loop(0, iters, run, 0)

        @pl.when(c == 0)
        def _():
            scatter_all(u0_hbm)

        @pl.when(c == 1)
        def _():
            scatter_all(u1_hbm)

        plsc.subcore_barrier()

        def copy_out(out_hbm):
            def cchunk(kk, carry):
                ch = s + kk * NS

                @pl.when(ch < n_chunks)
                def _():
                    r0 = pl.multiple_of(ch * ZROWS, 8)
                    pltpu.sync_copy(acc_sh.at[pl.ds(r0, ZROWS)], val0)
                    pltpu.sync_copy(val0, out_hbm.at[pl.ds(r0, ZROWS)])

                return carry

            lax.fori_loop(0, chunks_per_tile, cchunk, 0)

        @pl.when(c == 0)
        def _():
            copy_out(out0_hbm)

        @pl.when(c == 1)
        def _():
            copy_out(out1_hbm)

    return k(u0, u1, idx_i)



def _tc3_body(acc0_ref, acc1_ref, Wd_i_ref, Wd_j_ref, p1t_ref, p3t_ref):
    f32 = jnp.float32

    def mm(a, b):
        return jnp.dot(a, b, preferred_element_type=f32)

    acc0 = acc0_ref[...]
    acc1 = acc1_ref[...]
    p1b = acc0[:, :D]
    Wd_i = Wd_i_ref[...]
    Wd_j = Wd_j_ref[...]
    blks = [acc0[:, D:2 * D], acc1[:, :D], acc1[:, D:2 * D]]
    dot = jnp.zeros_like(p1b)
    for blk in blks:
        dot = dot + mm(blk, Wd_i) * mm(blk, Wd_j)
    p1t = dot + p1b
    p1t_ref[...] = p1t
    p3t_ref[...] = jnp.concatenate([b * p1t for b in blks], axis=1)


def _tc3(acc0, acc1, Wd_i, Wd_j):
    n = acc0.shape[0]
    grid = n // BA
    row = lambda i: (i, 0)
    w_spec = pl.BlockSpec((D, D), lambda i: (0, 0))
    return pl.pallas_call(
        _tc3_body,
        grid=(grid,),
        in_specs=[pl.BlockSpec((BA, 2 * D), row),
                  pl.BlockSpec((BA, 2 * D), row), w_spec, w_spec],
        out_specs=[
            pl.BlockSpec((BA, D), row),
            pl.BlockSpec((BA, 3 * D), row),
        ],
        out_shape=[
            jax.ShapeDtypeStruct((n, D), jnp.float32),
            jax.ShapeDtypeStruct((n, 3 * D), jnp.float32),
        ],
    )(acc0, acc1, Wd_i, Wd_j)



def kernel(ind_2, p1, p3, diff, basis, W_pp1_0, b_pp1_0, W_pp1_1, b_pp1_1,
           W_pi_0, b_pi_0, W_pi_1, b_pi_1, W_ii_0, W_ii_1, W_pp3_0, W_pp3_1,
           W_pix_i, W_pix_j, W_dot_i, W_dot_j):
    n_atoms = p1.shape[0]
    idx_i = ind_2[:, 0].astype(jnp.int32)
    idx_j = ind_2[:, 1].astype(jnp.int32)
    p348 = p3.reshape(n_atoms, 3 * D)
    hi = jax.lax.Precision.HIGHEST
    Wpp3c = jnp.dot(W_pp3_0, W_pp3_1, precision=hi)

    ta, tb = _tc1(p1, p348,
                  W_pp1_0, b_pp1_0.reshape(1, D), W_pp1_1, b_pp1_1.reshape(1, D),
                  W_pi_0[:D], W_pi_0[D:], Wpp3c, W_pix_i, W_pix_j)

    gi, gj = _sc_gather(ta, tb, idx_i, idx_j)

    Sm = np.zeros((4 * D, D), np.float32)
    for l in range(4 * D):
        Sm[l, l // 4] = 1.0
    W2 = jnp.dot(jnp.asarray(Sm), W_ii_0, precision=hi)
    consts = _tc2_consts()
    u0, u1 = _tc2(gi, gj, diff, basis,
                  W_pi_1, b_pi_0.reshape(1, D), b_pi_1.reshape(1, 4 * D),
                  W2, W_ii_1, consts)

    acc0, acc1 = _sc_scatter(u0, u1, idx_i)

    p1t1, p3t48 = _tc3(acc0, acc1, W_dot_i, W_dot_j)
    return (p1t1, p3t48.reshape(n_atoms, 3, D))

# --- scband reference (transcript-rebuilt; emitter-appended) ---
"""Pipeline reference for scband-pi-net2-32074815767161 (READ-ONLY COPY).

The authoritative reference and input builder live on the scoring server;
editing this copy changes nothing except your own understanding.
"""

import jax, jax.numpy as jnp
import numpy as np

N_ATOMS = 50000
N_PAIRS = 1600000
D = 16
NB = 4


def setup_inputs(seed: int = 0) -> dict:
    key = jax.random.key(seed)
    ks = jax.random.split(key, 24)
    inp = {}
    inp["ind_2"] = jax.random.randint(ks[0], (N_PAIRS, 2), 0, N_ATOMS, dtype=jnp.int32).astype(jnp.int64)
    inp["p1"] = jax.random.normal(ks[1], (N_ATOMS, D), dtype=jnp.float32)
    inp["p3"] = jax.random.normal(ks[2], (N_ATOMS, 3, D), dtype=jnp.float32)
    inp["diff"] = jax.random.normal(ks[3], (N_PAIRS, 3), dtype=jnp.float32)
    inp["basis"] = jax.random.uniform(ks[4], (N_PAIRS, NB), dtype=jnp.float32)
    def w(k, shape):
        return (jax.random.normal(k, shape, dtype=jnp.float32) * (1.0 / np.sqrt(shape[0])))
    # pp1: FFLayer([16,16], tanh, bias)
    inp["W_pp1_0"] = w(ks[5], (D, D)); inp["b_pp1_0"] = jnp.zeros((D,), jnp.float32)
    inp["W_pp1_1"] = w(ks[6], (D, D)); inp["b_pp1_1"] = jnp.zeros((D,), jnp.float32)
    # pi1: PILayer FF on concat(p1_i,p1_j): nodes [16, 16*NB]
    inp["W_pi_0"] = w(ks[7], (2 * D, D)); inp["b_pi_0"] = jnp.zeros((D,), jnp.float32)
    inp["W_pi_1"] = w(ks[8], (D, D * NB)); inp["b_pi_1"] = jnp.zeros((D * NB,), jnp.float32)
    # ii1: FFLayer([16, 3*16], tanh, no bias)
    inp["W_ii_0"] = w(ks[9], (D, D))
    inp["W_ii_1"] = w(ks[10], (D, 3 * D))
    # pp3: FFLayer([16,16], no act, no bias)
    inp["W_pp3_0"] = w(ks[11], (D, D))
    inp["W_pp3_1"] = w(ks[12], (D, D))
    # pix (weighted)
    inp["W_pix_i"] = w(ks[13], (D, D))
    inp["W_pix_j"] = w(ks[14], (D, D))
    # dot (weighted)
    inp["W_dot_i"] = w(ks[15], (D, D))
    inp["W_dot_j"] = w(ks[16], (D, D))
    return inp


def reference(ind_2, p1, p3, diff, basis, W_pp1_0, b_pp1_0, W_pp1_1, b_pp1_1, W_pi_0, b_pi_0, W_pi_1, b_pi_1, W_ii_0, W_ii_1, W_pp3_0, W_pp3_1, W_pix_i, W_pix_j, W_dot_i, W_dot_j):
    n_atoms = p1.shape[0]
    idx_i = ind_2[:, 0]
    idx_j = ind_2[:, 1]
    # pp1: FFLayer (tanh dense stack)
    h = jnp.tanh(p1 @ W_pp1_0 + b_pp1_0)
    p1a = jnp.tanh(h @ W_pp1_1 + b_pp1_1)
    # pi1: PILayer -- gather endpoints, FF, contract with radial basis
    inter = jnp.concatenate([jnp.take(p1a, idx_i, axis=0), jnp.take(p1a, idx_j, axis=0)], axis=-1)
    inter = jnp.tanh(inter @ W_pi_0 + b_pi_0)
    inter = jnp.tanh(inter @ W_pi_1 + b_pi_1)
    inter = inter.reshape(-1, D, NB)
    i1 = jnp.einsum('pcb,pb->pc', inter, basis)
    # ii1: FFLayer no bias, last layer width 3*D
    i1 = jnp.tanh(i1 @ W_ii_0)
    i1 = jnp.tanh(i1 @ W_ii_1)
    i1_1, i1_2, i1_3 = jnp.split(i1, 3, axis=-1)
    # ip1: scatter-add interactions back to atoms
    p1b = jax.ops.segment_sum(i1_2, idx_i, num_segments=n_atoms)
    # pp3: linear, no bias, no activation (applied over last axis of [N,3,D])
    p3a = (p3 @ W_pp3_0) @ W_pp3_1
    # pix (weighted): gather both endpoints of equivariant channel
    i3 = jnp.take(p3a, idx_i, axis=0) @ W_pix_i + jnp.take(p3a, idx_j, axis=0) @ W_pix_j
    # scale1 + scale2 + add
    i3 = i3 * i1_3[:, None, :]
    i3 = i3 + diff[:, :, None] * i1_1[:, None, :]
    # ip3: scatter-add equivariant interactions
    p3b = jax.ops.segment_sum(i3, idx_i, num_segments=n_atoms)
    # weighted DotLayer
    dot = jnp.einsum('ixr,ixr->ir', p3b @ W_dot_i, p3b @ W_dot_j)
    p1t1 = dot + p1b
    # scale3
    p3t1 = p3b * p1t1[:, None, :]
    return (p1t1, p3t1)

if __name__ == "__main__":
    import jax
    _d = setup_inputs()
    print(jax.jit(kernel)(*tuple(_d.values())))

</pallas_src>

<mosaic_0001>
#map = affine_map<(d0, d1) -> (0, 0)>
#map1 = affine_map<(d0, d1) -> (0)>
module attributes {stable_mosaic.version = 14 : i64} {
  func.func @k(%arg0: i32, %arg1: i32, %arg2: memref<50000x64xf32, #tpu.memory_space<hbm>>, %arg3: memref<50000x64xf32, #tpu.memory_space<hbm>>, %arg4: memref<1600000xi32, #tpu.memory_space<hbm>>, %arg5: memref<1600000xi32, #tpu.memory_space<hbm>>, %arg6: memref<1600000x64xf32, #tpu.memory_space<hbm>>, %arg7: memref<1600000x64xf32, #tpu.memory_space<hbm>>, %arg8: memref<1000xi32, #tpu.memory_space<vmem>>, %arg9: memref<1000xi32, #tpu.memory_space<vmem>>, %arg10: memref<1000x64xf32, #tpu.memory_space<vmem>>, %arg11: memref<1000x64xf32, #tpu.memory_space<vmem>>, %arg12: memref<!tpu.dma_semaphore, #tpu.memory_space<semaphore_mem>>, %arg13: memref<!tpu.dma_semaphore, #tpu.memory_space<semaphore_mem>>) attributes {dimension_semantics = [#tpu.dimension_semantics<core_parallel>, #tpu.dimension_semantics<subcore_parallel>], iteration_bounds = array<i64: 2, 16>, scalar_prefetch = 0 : i64, scratch_operands = 6 : i64, tpu.core_type = #tpu.core_type<sc_vector_subcore>, window_params = [{transform_indices = #map}, {transform_indices = #map}, {transform_indices = #map1}, {transform_indices = #map1}, {transform_indices = #map}, {transform_indices = #map}]} {
    %mul3A = arith.constant 2 : i32
    %mul3A_0 = arith.muli %arg1, %mul3A : i32
    %add3A = arith.addi %mul3A_0, %arg0 : i32
    %mul3A_1 = arith.constant 50000 : i32
    %mul3A_2 = arith.muli %add3A, %mul3A_1 : i32
    %scan3A = arith.constant 0 : i32
    %scan3A_3 = arith.constant 0 : i32
    %scan3A_4 = arith.constant 50 : i32
    %scan3A_5 = arith.addi %scan3A_3, %scan3A_4 : i32
    %scan3A_6 = arith.constant 1 : i32
    scf.for %scan3A_8 = %scan3A_3 to %scan3A_5 step %scan3A_6  : i32 {
      %mul3A_9 = arith.constant 1000 : i32
      %mul3A_10 = arith.muli %scan3A_8, %mul3A_9 : i32
      %add3A_11 = arith.addi %mul3A_2, %mul3A_10 : i32
      %multiple_of3A = tpu.assume_multiple %add3A_11, 8 : i32
      "tpu.region"() ({
        %run_scoped3A = tpu.sem_alloc : memref<!tpu.dma_semaphore, #tpu.memory_space<semaphore_mem>>
        %dma_start3A_22 = tpu.memref_slice %arg4[%multiple_of3A] : memref<1600000xi32, #tpu.memory_space<hbm>> -> memref<1000xi32, #tpu.memory_space<hbm>>
        %dma_start3A_23 = tpu.memref_slice %arg4[%multiple_of3A] : memref<1600000xi32, #tpu.memory_space<hbm>> -> memref<1000xi32, #tpu.memory_space<hbm>>
        tpu.enqueue_dma source(%dma_start3A_23 : memref<1000xi32, #tpu.memory_space<hbm>>) target(%arg8 : memref<1000xi32, #tpu.memory_space<vmem>>) target_semaphore(%run_scoped3A : memref<!tpu.dma_semaphore, #tpu.memory_space<semaphore_mem>>)
        %dma_wait3A_24 = tpu.memref_slice %arg4[%multiple_of3A] : memref<1600000xi32, #tpu.memory_space<hbm>> -> memref<1000xi32, #tpu.memory_space<hbm>>
        %dma_wait3A_25 = tpu.memref_slice %arg4[%multiple_of3A] : memref<1600000xi32, #tpu.memory_space<hbm>> -> memref<1000xi32, #tpu.memory_space<hbm>>
        tpu.wait_dma2 semaphore(%run_scoped3A : memref<!tpu.dma_semaphore, #tpu.memory_space<semaphore_mem>>) src(%dma_wait3A_25 : memref<1000xi32, #tpu.memory_space<hbm>>) dst(%arg8 : memref<1000xi32, #tpu.memory_space<vmem>>)
        tpu.yield
      }) : () -> ()
      "tpu.region"() ({
        %run_scoped3A = tpu.sem_alloc : memref<!tpu.dma_semaphore, #tpu.memory_space<semaphore_mem>>
        %dma_start3A_22 = tpu.memref_slice %arg5[%multiple_of3A] : memref<1600000xi32, #tpu.memory_space<hbm>> -> memref<1000xi32, #tpu.memory_space<hbm>>
        %dma_start3A_23 = tpu.memref_slice %arg5[%multiple_of3A] : memref<1600000xi32, #tpu.memory_space<hbm>> -> memref<1000xi32, #tpu.memory_space<hbm>>
        tpu.enqueue_dma source(%dma_start3A_23 : memref<1000xi32, #tpu.memory_space<hbm>>) target(%arg9 : memref<1000xi32, #tpu.memory_space<vmem>>) target_semaphore(%run_scoped3A : memref<!tpu.dma_semaphore, #tpu.memory_space<semaphore_mem>>)
        %dma_wait3A_24 = tpu.memref_slice %arg5[%multiple_of3A] : memref<1600000xi32, #tpu.memory_space<hbm>> -> memref<1000xi32, #tpu.memory_space<hbm>>
        %dma_wait3A_25 = tpu.memref_slice %arg5[%multiple_of3A] : memref<1600000xi32, #tpu.memory_space<hbm>> -> memref<1000xi32, #tpu.memory_space<hbm>>
        tpu.wait_dma2 semaphore(%run_scoped3A : memref<!tpu.dma_semaphore, #tpu.memory_space<semaphore_mem>>) src(%dma_wait3A_25 : memref<1000xi32, #tpu.memory_space<hbm>>) dst(%arg9 : memref<1000xi32, #tpu.memory_space<vmem>>)
        tpu.yield
      }) : () -> ()
      %dma_start3A = arith.constant 0 : i32
      %dma_start3A_12 = arith.constant 0 : i32
      %dma_start3A_13 = tpu.memref_slice %arg2[%dma_start3A, %dma_start3A_12] : memref<50000x64xf32, #tpu.memory_space<hbm>> -> memref<50000x64xf32, #tpu.memory_space<hbm>>
      tpu.enqueue_indirect_dma source(%dma_start3A_13 : memref<50000x64xf32, #tpu.memory_space<hbm>>) target(%arg10 : memref<1000x64xf32, #tpu.memory_space<vmem>>) offsets(%arg8 : memref<1000xi32, #tpu.memory_space<vmem>>) semaphore(%arg12 : memref<!tpu.dma_semaphore, #tpu.memory_space<semaphore_mem>>)
      %dma_start3A_14 = arith.constant 0 : i32
      %dma_start3A_15 = arith.constant 0 : i32
      %dma_start3A_16 = tpu.memref_slice %arg3[%dma_start3A_14, %dma_start3A_15] : memref<50000x64xf32, #tpu.memory_space<hbm>> -> memref<50000x64xf32, #tpu.memory_space<hbm>>
      tpu.enqueue_indirect_dma source(%dma_start3A_16 : memref<50000x64xf32, #tpu.memory_space<hbm>>) target(%arg11 : memref<1000x64xf32, #tpu.memory_space<vmem>>) offsets(%arg9 : memref<1000xi32, #tpu.memory_space<vmem>>) semaphore(%arg13 : memref<!tpu.dma_semaphore, #tpu.memory_space<semaphore_mem>>)
      %dma_wait3A = arith.constant 0 : i32
      %dma_wait3A_17 = arith.constant 0 : i32
      %dma_wait3A_18 = tpu.memref_slice %arg2[%dma_wait3A, %dma_wait3A_17] : memref<50000x64xf32, #tpu.memory_space<hbm>> -> memref<50000x64xf32, #tpu.memory_space<hbm>>
      tpu.wait_indirect_dma semaphore(%arg12 : memref<!tpu.dma_semaphore, #tpu.memory_space<semaphore_mem>>) src(%dma_wait3A_18 : memref<50000x64xf32, #tpu.memory_space<hbm>>) dst(%arg10 : memref<1000x64xf32, #tpu.memory_space<vmem>>)
      %dma_wait3A_19 = arith.constant 0 : i32
      %dma_wait3A_20 = arith.constant 0 : i32
      %dma_wait3A_21 = tpu.memref_slice %arg3[%dma_wait3A_19, %dma_wait3A_20] : memref<50000x64xf32, #tpu.memory_space<hbm>> -> memref<50000x64xf32, #tpu.memory_space<hbm>>
      tpu.wait_indirect_dma semaphore(%arg13 : memref<!tpu.dma_semaphore, #tpu.memory_space<semaphore_mem>>) src(%dma_wait3A_21 : memref<50000x64xf32, #tpu.memory_space<hbm>>) dst(%arg11 : memref<1000x64xf32, #tpu.memory_space<vmem>>)
      "tpu.region"() ({
        %run_scoped3A = tpu.sem_alloc : memref<!tpu.dma_semaphore, #tpu.memory_space<semaphore_mem>>
        %dma_start3A_22 = arith.constant 0 : i32
        %dma_start3A_23 = tpu.memref_slice %arg6[%multiple_of3A, %dma_start3A_22] : memref<1600000x64xf32, #tpu.memory_space<hbm>> -> memref<1000x64xf32, #tpu.memory_space<hbm>>
        %dma_start3A_24 = arith.constant 0 : i32
        %dma_start3A_25 = tpu.memref_slice %arg6[%multiple_of3A, %dma_start3A_24] : memref<1600000x64xf32, #tpu.memory_space<hbm>> -> memref<1000x64xf32, #tpu.memory_space<hbm>>
        tpu.enqueue_dma source(%arg10 : memref<1000x64xf32, #tpu.memory_space<vmem>>) target(%dma_start3A_25 : memref<1000x64xf32, #tpu.memory_space<hbm>>) target_semaphore(%run_scoped3A : memref<!tpu.dma_semaphore, #tpu.memory_space<semaphore_mem>>)
        %dma_wait3A_26 = arith.constant 0 : i32
        %dma_wait3A_27 = tpu.memref_slice %arg6[%multiple_of3A, %dma_wait3A_26] : memref<1600000x64xf32, #tpu.memory_space<hbm>> -> memref<1000x64xf32, #tpu.memory_space<hbm>>
        %dma_wait3A_28 = arith.constant 0 : i32
        %dma_wait3A_29 = tpu.memref_slice %arg6[%multiple_of3A, %dma_wait3A_28] : memref<1600000x64xf32, #tpu.memory_space<hbm>> -> memref<1000x64xf32, #tpu.memory_space<hbm>>
        tpu.wait_dma2 semaphore(%run_scoped3A : memref<!tpu.dma_semaphore, #tpu.memory_space<semaphore_mem>>) src(%arg10 : memref<1000x64xf32, #tpu.memory_space<vmem>>) dst(%dma_wait3A_29 : memref<1000x64xf32, #tpu.memory_space<hbm>>)
        tpu.yield
      }) : () -> ()
      "tpu.region"() ({
        %run_scoped3A = tpu.sem_alloc : memref<!tpu.dma_semaphore, #tpu.memory_space<semaphore_mem>>
        %dma_start3A_22 = arith.constant 0 : i32
        %dma_start3A_23 = tpu.memref_slice %arg7[%multiple_of3A, %dma_start3A_22] : memref<1600000x64xf32, #tpu.memory_space<hbm>> -> memref<1000x64xf32, #tpu.memory_space<hbm>>
        %dma_start3A_24 = arith.constant 0 : i32
        %dma_start3A_25 = tpu.memref_slice %arg7[%multiple_of3A, %dma_start3A_24] : memref<1600000x64xf32, #tpu.memory_space<hbm>> -> memref<1000x64xf32, #tpu.memory_space<hbm>>
        tpu.enqueue_dma source(%arg11 : memref<1000x64xf32, #tpu.memory_space<vmem>>) target(%dma_start3A_25 : memref<1000x64xf32, #tpu.memory_space<hbm>>) target_semaphore(%run_scoped3A : memref<!tpu.dma_semaphore, #tpu.memory_space<semaphore_mem>>)
        %dma_wait3A_26 = arith.constant 0 : i32
        %dma_wait3A_27 = tpu.memref_slice %arg7[%multiple_of3A, %dma_wait3A_26] : memref<1600000x64xf32, #tpu.memory_space<hbm>> -> memref<1000x64xf32, #tpu.memory_space<hbm>>
        %dma_wait3A_28 = arith.constant 0 : i32
        %dma_wait3A_29 = tpu.memref_slice %arg7[%multiple_of3A, %dma_wait3A_28] : memref<1600000x64xf32, #tpu.memory_space<hbm>> -> memref<1000x64xf32, #tpu.memory_space<hbm>>
        tpu.wait_dma2 semaphore(%run_scoped3A : memref<!tpu.dma_semaphore, #tpu.memory_space<semaphore_mem>>) src(%arg11 : memref<1000x64xf32, #tpu.memory_space<vmem>>) dst(%dma_wait3A_29 : memref<1000x64xf32, #tpu.memory_space<hbm>>)
        tpu.yield
      }) : () -> ()
    }
    %scan3A_7 = arith.constant 50 : i32
    return
  }
}

#map = affine_map<(d0, d1) -> (0, 0)>
#map1 = affine_map<(d0, d1) -> (0)>
module attributes {stable_mosaic.version = 14 : i64} {
  func.func @k(%arg0: i32, %arg1: i32, %arg2: memref<1600000x32xf32, #tpu.memory_space<hbm>>, %arg3: memref<1600000x32xf32, #tpu.memory_space<hbm>>, %arg4: memref<1600000xi32, #tpu.memory_space<hbm>>, %arg5: memref<50000x32xf32, #tpu.memory_space<hbm>>, %arg6: memref<50000x32xf32, #tpu.memory_space<hbm>>, %arg7: memref<400xi32, #tpu.memory_space<vmem>>, %arg8: memref<400xi32, #tpu.memory_space<vmem>>, %arg9: memref<400x32xf32, #tpu.memory_space<vmem>>, %arg10: memref<400x32xf32, #tpu.memory_space<vmem>>, %arg11: memref<50000x32xf32, #tpu.memory_space<vmem_shared>>, %arg12: memref<!tpu.dma_semaphore, #tpu.memory_space<semaphore_mem>>, %arg13: memref<!tpu.dma_semaphore, #tpu.memory_space<semaphore_mem>>) attributes {dimension_semantics = [#tpu.dimension_semantics<core_parallel>, #tpu.dimension_semantics<subcore_parallel>], iteration_bounds = array<i64: 2, 16>, scalar_prefetch = 0 : i64, scratch_operands = 7 : i64, tpu.core_type = #tpu.core_type<sc_vector_subcore>, window_params = [{transform_indices = #map}, {transform_indices = #map}, {transform_indices = #map1}, {transform_indices = #map}, {transform_indices = #map}]} {
    %broadcast_in_dim3A = arith.constant 0.000000e+00 : f32
    %broadcast_in_dim3A_0 = vector.broadcast %broadcast_in_dim3A : f32 to vector<16xf32>
    %scan3A = arith.constant 0 : i32
    %scan3A_1 = arith.constant 0 : i32
    %scan3A_2 = arith.constant 400 : i32
    %scan3A_3 = arith.addi %scan3A_1, %scan3A_2 : i32
    %scan3A_4 = arith.constant 1 : i32
    scf.for %scan3A_30 = %scan3A_1 to %scan3A_3 step %scan3A_4  : i32 {
      %swap3A = arith.index_cast %scan3A_30 : i32 to index
      %swap3A_31 = arith.constant 0 : index
      %swap3A_32 = tpu.vector_load %arg9[%swap3A, %swap3A_31] {strides = array<i32>} : memref<400x32xf32, #tpu.memory_space<vmem>>, vector<1x16xf32>,
      %swap3A_33 = vector.shape_cast %swap3A_32 : vector<1x16xf32> to vector<16xf32>
      %swap3A_34 = vector.shape_cast %broadcast_in_dim3A_0 : vector<16xf32> to vector<1x16xf32>
      tpu.vector_store %arg9[%swap3A, %swap3A_31], %swap3A_34 {strides = array<i32>} : memref<400x32xf32, #tpu.memory_space<vmem>>, vector<1x16xf32>,
      %swap3A_35 = arith.index_cast %scan3A_30 : i32 to index
      %swap3A_36 = arith.constant 16 : index
      %swap3A_37 = tpu.vector_load %arg9[%swap3A_35, %swap3A_36] {strides = array<i32>} : memref<400x32xf32, #tpu.memory_space<vmem>>, vector<1x16xf32>,
      %swap3A_38 = vector.shape_cast %swap3A_37 : vector<1x16xf32> to vector<16xf32>
      %swap3A_39 = vector.shape_cast %broadcast_in_dim3A_0 : vector<16xf32> to vector<1x16xf32>
      tpu.vector_store %arg9[%swap3A_35, %swap3A_36], %swap3A_39 {strides = array<i32>} : memref<400x32xf32, #tpu.memory_space<vmem>>, vector<1x16xf32>,
    }
    %scan3A_5 = arith.constant 400 : i32
    %scan3A_6 = arith.constant 0 : i32
    %scan3A_7 = arith.constant 0 : i32
    %scan3A_8 = arith.constant 8 : i32
    %scan3A_9 = arith.addi %scan3A_7, %scan3A_8 : i32
    %scan3A_10 = arith.constant 1 : i32
    scf.for %scan3A_30 = %scan3A_7 to %scan3A_9 step %scan3A_10  : i32 {
      %mul3A = arith.constant 16 : i32
      %mul3A_31 = arith.muli %scan3A_30, %mul3A : i32
      %add3A = arith.addi %arg1, %mul3A_31 : i32
      %lt3A = arith.constant 125 : i32
      %lt3A_32 = arith.cmpi slt, %add3A, %lt3A : i32
      %convert_element_type3A_33 = arith.extui %lt3A_32 : i1 to i32
      %cond3A_34 = arith.constant 0 : i32
      %cond3A_35 = arith.cmpi ne, %convert_element_type3A_33, %cond3A_34 : i32
      scf.if %cond3A_35 {
        %mul3A_36 = arith.constant 400 : i32
        %mul3A_37 = arith.muli %add3A, %mul3A_36 : i32
        %multiple_of3A = tpu.assume_multiple %mul3A_37, 8 : i32
        "tpu.region"() ({
          %run_scoped3A = tpu.sem_alloc : memref<!tpu.dma_semaphore, #tpu.memory_space<semaphore_mem>>
          %dma_start3A = arith.constant 0 : i32
          %dma_start3A_38 = tpu.memref_slice %arg11[%multiple_of3A, %dma_start3A] : memref<50000x32xf32, #tpu.memory_space<vmem_shared>> -> memref<400x32xf32, #tpu.memory_space<vmem_shared>>
          %dma_start3A_39 = arith.constant 0 : i32
          %dma_start3A_40 = tpu.memref_slice %arg11[%multiple_of3A, %dma_start3A_39] : memref<50000x32xf32, #tpu.memory_space<vmem_shared>> -> memref<400x32xf32, #tpu.memory_space<vmem_shared>>
          tpu.enqueue_dma source(%arg9 : memref<400x32xf32, #tpu.memory_space<vmem>>) target(%dma_start3A_40 : memref<400x32xf32, #tpu.memory_space<vmem_shared>>) target_semaphore(%run_scoped3A : memref<!tpu.dma_semaphore, #tpu.memory_space<semaphore_mem>>)
          %dma_wait3A = arith.constant 0 : i32
          %dma_wait3A_41 = tpu.memref_slice %arg11[%multiple_of3A, %dma_wait3A] : memref<50000x32xf32, #tpu.memory_space<vmem_shared>> -> memref<400x32xf32, #tpu.memory_space<vmem_shared>>
          %dma_wait3A_42 = arith.constant 0 : i32
          %dma_wait3A_43 = tpu.memref_slice %arg11[%multiple_of3A, %dma_wait3A_42] : memref<50000x32xf32, #tpu.memory_space<vmem_shared>> -> memref<400x32xf32, #tpu.memory_space<vmem_shared>>
          tpu.wait_dma2 semaphore(%run_scoped3A : memref<!tpu.dma_semaphore, #tpu.memory_space<semaphore_mem>>) src(%arg9 : memref<400x32xf32, #tpu.memory_space<vmem>>) dst(%dma_wait3A_43 : memref<400x32xf32, #tpu.memory_space<vmem_shared>>)
          tpu.yield
        }) : () -> ()
      } else {
      }
    }
    %scan3A_11 = arith.constant 8 : i32
    %barrier3A = arith.constant 0 : index
    tpu.barrier barrier_id(%barrier3A)
    %eq3A = arith.constant 0 : i32
    %eq3A_12 = arith.cmpi eq, %arg0, %eq3A : i32
    %convert_element_type3A = arith.extui %eq3A_12 : i1 to i32
    %cond3A = arith.constant 0 : i32
    %cond3A_13 = arith.cmpi ne, %convert_element_type3A, %cond3A : i32
    scf.if %cond3A_13 {
      %scan3A_30 = arith.constant 0 : i32
      %scan3A_31 = arith.constant 0 : i32
      %scan3A_32 = arith.constant 250 : i32
      %scan3A_33 = arith.addi %scan3A_31, %scan3A_32 : i32
      %scan3A_34 = arith.constant 1 : i32
      scf.for %scan3A_36 = %scan3A_31 to %scan3A_33 step %scan3A_34  : i32 {
        %mul3A = arith.constant 100000 : i32
        %mul3A_37 = arith.muli %arg1, %mul3A : i32
        %mul3A_38 = arith.constant 400 : i32
        %mul3A_39 = arith.muli %scan3A_36, %mul3A_38 : i32
        %add3A = arith.addi %mul3A_37, %mul3A_39 : i32
        %multiple_of3A = tpu.assume_multiple %add3A, 8 : i32
        "tpu.region"() ({
          %run_scoped3A = tpu.sem_alloc : memref<!tpu.dma_semaphore, #tpu.memory_space<semaphore_mem>>
          %dma_start3A = tpu.memref_slice %arg4[%multiple_of3A] : memref<1600000xi32, #tpu.memory_space<hbm>> -> memref<400xi32, #tpu.memory_space<hbm>>
          %dma_start3A_40 = tpu.memref_slice %arg4[%multiple_of3A] : memref<1600000xi32, #tpu.memory_space<hbm>> -> memref<400xi32, #tpu.memory_space<hbm>>
          tpu.enqueue_dma source(%dma_start3A_40 : memref<400xi32, #tpu.memory_space<hbm>>) target(%arg7 : memref<400xi32, #tpu.memory_space<vmem>>) target_semaphore(%run_scoped3A : memref<!tpu.dma_semaphore, #tpu.memory_space<semaphore_mem>>)
          %dma_wait3A = tpu.memref_slice %arg4[%multiple_of3A] : memref<1600000xi32, #tpu.memory_space<hbm>> -> memref<400xi32, #tpu.memory_space<hbm>>
          %dma_wait3A_41 = tpu.memref_slice %arg4[%multiple_of3A] : memref<1600000xi32, #tpu.memory_space<hbm>> -> memref<400xi32, #tpu.memory_space<hbm>>
          tpu.wait_dma2 semaphore(%run_scoped3A : memref<!tpu.dma_semaphore, #tpu.memory_space<semaphore_mem>>) src(%dma_wait3A_41 : memref<400xi32, #tpu.memory_space<hbm>>) dst(%arg7 : memref<400xi32, #tpu.memory_space<vmem>>)
          tpu.yield
        }) : () -> ()
        "tpu.region"() ({
          %run_scoped3A = tpu.sem_alloc : memref<!tpu.dma_semaphore, #tpu.memory_space<semaphore_mem>>
          %dma_start3A = arith.constant 0 : i32
          %dma_start3A_40 = tpu.memref_slice %arg2[%multiple_of3A, %dma_start3A] : memref<1600000x32xf32, #tpu.memory_space<hbm>> -> memref<400x32xf32, #tpu.memory_space<hbm>>
          %dma_start3A_41 = arith.constant 0 : i32
          %dma_start3A_42 = tpu.memref_slice %arg2[%multiple_of3A, %dma_start3A_41] : memref<1600000x32xf32, #tpu.memory_space<hbm>> -> memref<400x32xf32, #tpu.memory_space<hbm>>
          tpu.enqueue_dma source(%dma_start3A_42 : memref<400x32xf32, #tpu.memory_space<hbm>>) target(%arg10 : memref<400x32xf32, #tpu.memory_space<vmem>>) target_semaphore(%run_scoped3A : memref<!tpu.dma_semaphore, #tpu.memory_space<semaphore_mem>>)
          %dma_wait3A = arith.constant 0 : i32
          %dma_wait3A_43 = tpu.memref_slice %arg2[%multiple_of3A, %dma_wait3A] : memref<1600000x32xf32, #tpu.memory_space<hbm>> -> memref<400x32xf32, #tpu.memory_space<hbm>>
          %dma_wait3A_44 = arith.constant 0 : i32
          %dma_wait3A_45 = tpu.memref_slice %arg2[%multiple_of3A, %dma_wait3A_44] : memref<1600000x32xf32, #tpu.memory_space<hbm>> -> memref<400x32xf32, #tpu.memory_space<hbm>>
          tpu.wait_dma2 semaphore(%run_scoped3A : memref<!tpu.dma_semaphore, #tpu.memory_space<semaphore_mem>>) src(%dma_wait3A_45 : memref<400x32xf32, #tpu.memory_space<hbm>>) dst(%arg10 : memref<400x32xf32, #tpu.memory_space<vmem>>)
          tpu.yield
        }) : () -> ()
        "tpu.region"() ({
          %run_scoped3A = tpu.sem_alloc : memref<!tpu.dma_semaphore, #tpu.memory_space<semaphore_mem>>
          %dma_start3A = arith.constant 0 : i32
          %dma_start3A_40 = arith.constant 0 : i32
          %dma_start3A_41 = tpu.memref_slice %arg11[%dma_start3A, %dma_start3A_40] : memref<50000x32xf32, #tpu.memory_space<vmem_shared>> -> memref<50000x32xf32, #tpu.memory_space<vmem_shared>>
          tpu.enqueue_indirect_dma source(%arg10 : memref<400x32xf32, #tpu.memory_space<vmem>>) target(%dma_start3A_41 : memref<50000x32xf32, #tpu.memory_space<vmem_shared>>) offsets(%arg7 : memref<400xi32, #tpu.memory_space<vmem>>) semaphore(%run_scoped3A : memref<!tpu.dma_semaphore, #tpu.memory_space<semaphore_mem>>) {add = true}
          %dma_wait3A = arith.constant 0 : i32
          %dma_wait3A_42 = arith.constant 0 : i32
          %dma_wait3A_43 = tpu.memref_slice %arg11[%dma_wait3A, %dma_wait3A_42] : memref<50000x32xf32, #tpu.memory_space<vmem_shared>> -> memref<50000x32xf32, #tpu.memory_space<vmem_shared>>
          tpu.wait_indirect_dma semaphore(%run_scoped3A : memref<!tpu.dma_semaphore, #tpu.memory_space<semaphore_mem>>) src(%arg10 : memref<400x32xf32, #tpu.memory_space<vmem>>) dst(%dma_wait3A_43 : memref<50000x32xf32, #tpu.memory_space<vmem_shared>>)
          tpu.yield
        }) : () -> ()
      }
      %scan3A_35 = arith.constant 250 : i32
    } else {
    }
    %eq3A_14 = arith.constant 1 : i32
    %eq3A_15 = arith.cmpi eq, %arg0, %eq3A_14 : i32
    %convert_element_type3A_16 = arith.extui %eq3A_15 : i1 to i32
    %cond3A_17 = arith.constant 0 : i32
    %cond3A_18 = arith.cmpi ne, %convert_element_type3A_16, %cond3A_17 : i32
    scf.if %cond3A_18 {
      %scan3A_30 = arith.constant 0 : i32
      %scan3A_31 = arith.constant 0 : i32
      %scan3A_32 = arith.constant 250 : i32
      %scan3A_33 = arith.addi %scan3A_31, %scan3A_32 : i32
      %scan3A_34 = arith.constant 1 : i32
      scf.for %scan3A_36 = %scan3A_31 to %scan3A_33 step %scan3A_34  : i32 {
        %mul3A = arith.constant 100000 : i32
        %mul3A_37 = arith.muli %arg1, %mul3A : i32
        %mul3A_38 = arith.constant 400 : i32
        %mul3A_39 = arith.muli %scan3A_36, %mul3A_38 : i32
        %add3A = arith.addi %mul3A_37, %mul3A_39 : i32
        %multiple_of3A = tpu.assume_multiple %add3A, 8 : i32
        "tpu.region"() ({
          %run_scoped3A = tpu.sem_alloc : memref<!tpu.dma_semaphore, #tpu.memory_space<semaphore_mem>>
          %dma_start3A = tpu.memref_slice %arg4[%multiple_of3A] : memref<1600000xi32, #tpu.memory_space<hbm>> -> memref<400xi32, #tpu.memory_space<hbm>>
          %dma_start3A_40 = tpu.memref_slice %arg4[%multiple_of3A] : memref<1600000xi32, #tpu.memory_space<hbm>> -> memref<400xi32, #tpu.memory_space<hbm>>
          tpu.enqueue_dma source(%dma_start3A_40 : memref<400xi32, #tpu.memory_space<hbm>>) target(%arg7 : memref<400xi32, #tpu.memory_space<vmem>>) target_semaphore(%run_scoped3A : memref<!tpu.dma_semaphore, #tpu.memory_space<semaphore_mem>>)
          %dma_wait3A = tpu.memref_slice %arg4[%multiple_of3A] : memref<1600000xi32, #tpu.memory_space<hbm>> -> memref<400xi32, #tpu.memory_space<hbm>>
          %dma_wait3A_41 = tpu.memref_slice %arg4[%multiple_of3A] : memref<1600000xi32, #tpu.memory_space<hbm>> -> memref<400xi32, #tpu.memory_space<hbm>>
          tpu.wait_dma2 semaphore(%run_scoped3A : memref<!tpu.dma_semaphore, #tpu.memory_space<semaphore_mem>>) src(%dma_wait3A_41 : memref<400xi32, #tpu.memory_space<hbm>>) dst(%arg7 : memref<400xi32, #tpu.memory_space<vmem>>)
          tpu.yield
        }) : () -> ()
        "tpu.region"() ({
          %run_scoped3A = tpu.sem_alloc : memref<!tpu.dma_semaphore, #tpu.memory_space<semaphore_mem>>
          %dma_start3A = arith.constant 0 : i32
          %dma_start3A_40 = tpu.memref_slice %arg3[%multiple_of3A, %dma_start3A] : memref<1600000x32xf32, #tpu.memory_space<hbm>> -> memref<400x32xf32, #tpu.memory_space<hbm>>
          %dma_start3A_41 = arith.constant 0 : i32
          %dma_start3A_42 = tpu.memref_slice %arg3[%multiple_of3A, %dma_start3A_41] : memref<1600000x32xf32, #tpu.memory_space<hbm>> -> memref<400x32xf32, #tpu.memory_space<hbm>>
          tpu.enqueue_dma source(%dma_start3A_42 : memref<400x32xf32, #tpu.memory_space<hbm>>) target(%arg10 : memref<400x32xf32, #tpu.memory_space<vmem>>) target_semaphore(%run_scoped3A : memref<!tpu.dma_semaphore, #tpu.memory_space<semaphore_mem>>)
          %dma_wait3A = arith.constant 0 : i32
          %dma_wait3A_43 = tpu.memref_slice %arg3[%multiple_of3A, %dma_wait3A] : memref<1600000x32xf32, #tpu.memory_space<hbm>> -> memref<400x32xf32, #tpu.memory_space<hbm>>
          %dma_wait3A_44 = arith.constant 0 : i32
          %dma_wait3A_45 = tpu.memref_slice %arg3[%multiple_of3A, %dma_wait3A_44] : memref<1600000x32xf32, #tpu.memory_space<hbm>> -> memref<400x32xf32, #tpu.memory_space<hbm>>
          tpu.wait_dma2 semaphore(%run_scoped3A : memref<!tpu.dma_semaphore, #tpu.memory_space<semaphore_mem>>) src(%dma_wait3A_45 : memref<400x32xf32, #tpu.memory_space<hbm>>) dst(%arg10 : memref<400x32xf32, #tpu.memory_space<vmem>>)
          tpu.yield
        }) : () -> ()
        "tpu.region"() ({
          %run_scoped3A = tpu.sem_alloc : memref<!tpu.dma_semaphore, #tpu.memory_space<semaphore_mem>>
          %dma_start3A = arith.constant 0 : i32
          %dma_start3A_40 = arith.constant 0 : i32
          %dma_start3A_41 = tpu.memref_slice %arg11[%dma_start3A, %dma_start3A_40] : memref<50000x32xf32, #tpu.memory_space<vmem_shared>> -> memref<50000x32xf32, #tpu.memory_space<vmem_shared>>
          tpu.enqueue_indirect_dma source(%arg10 : memref<400x32xf32, #tpu.memory_space<vmem>>) target(%dma_start3A_41 : memref<50000x32xf32, #tpu.memory_space<vmem_shared>>) offsets(%arg7 : memref<400xi32, #tpu.memory_space<vmem>>) semaphore(%run_scoped3A : memref<!tpu.dma_semaphore, #tpu.memory_space<semaphore_mem>>) {add = true}
          %dma_wait3A = arith.constant 0 : i32
          %dma_wait3A_42 = arith.constant 0 : i32
          %dma_wait3A_43 = tpu.memref_slice %arg11[%dma_wait3A, %dma_wait3A_42] : memref<50000x32xf32, #tpu.memory_space<vmem_shared>> -> memref<50000x32xf32, #tpu.memory_space<vmem_shared>>
          tpu.wait_indirect_dma semaphore(%run_scoped3A : memref<!tpu.dma_semaphore, #tpu.memory_space<semaphore_mem>>) src(%arg10 : memref<400x32xf32, #tpu.memory_space<vmem>>) dst(%dma_wait3A_43 : memref<50000x32xf32, #tpu.memory_space<vmem_shared>>)
          tpu.yield
        }) : () -> ()
      }
      %scan3A_35 = arith.constant 250 : i32
    } else {
    }
    %barrier3A_19 = arith.constant 0 : index
    tpu.barrier barrier_id(%barrier3A_19)
    %eq3A_20 = arith.constant 0 : i32
    %eq3A_21 = arith.cmpi eq, %arg0, %eq3A_20 : i32
    %convert_element_type3A_22 = arith.extui %eq3A_21 : i1 to i32
    %cond3A_23 = arith.constant 0 : i32
    %cond3A_24 = arith.cmpi ne, %convert_element_type3A_22, %cond3A_23 : i32
    scf.if %cond3A_24 {
      %scan3A_30 = arith.constant 0 : i32
      %scan3A_31 = arith.constant 0 : i32
      %scan3A_32 = arith.constant 8 : i32
      %scan3A_33 = arith.addi %scan3A_31, %scan3A_32 : i32
      %scan3A_34 = arith.constant 1 : i32
      scf.for %scan3A_36 = %scan3A_31 to %scan3A_33 step %scan3A_34  : i32 {
        %mul3A = arith.constant 16 : i32
        %mul3A_37 = arith.muli %scan3A_36, %mul3A : i32
        %add3A = arith.addi %arg1, %mul3A_37 : i32
        %lt3A = arith.constant 125 : i32
        %lt3A_38 = arith.cmpi slt, %add3A, %lt3A : i32
        %convert_element_type3A_39 = arith.extui %lt3A_38 : i1 to i32
        %cond3A_40 = arith.constant 0 : i32
        %cond3A_41 = arith.cmpi ne, %convert_element_type3A_39, %cond3A_40 : i32
        scf.if %cond3A_41 {
          %mul3A_42 = arith.constant 400 : i32
          %mul3A_43 = arith.muli %add3A, %mul3A_42 : i32
          %multiple_of3A = tpu.assume_multiple %mul3A_43, 8 : i32
          "tpu.region"() ({
            %run_scoped3A = tpu.sem_alloc : memref<!tpu.dma_semaphore, #tpu.memory_space<semaphore_mem>>
            %dma_start3A = arith.constant 0 : i32
            %dma_start3A_44 = tpu.memref_slice %arg11[%multiple_of3A, %dma_start3A] : memref<50000x32xf32, #tpu.memory_space<vmem_shared>> -> memref<400x32xf32, #tpu.memory_space<vmem_shared>>
            %dma_start3A_45 = arith.constant 0 : i32
            %dma_start3A_46 = tpu.memref_slice %arg11[%multiple_of3A, %dma_start3A_45] : memref<50000x32xf32, #tpu.memory_space<vmem_shared>> -> memref<400x32xf32, #tpu.memory_space<vmem_shared>>
            tpu.enqueue_dma source(%dma_start3A_46 : memref<400x32xf32, #tpu.memory_space<vmem_shared>>) target(%arg9 : memref<400x32xf32, #tpu.memory_space<vmem>>) target_semaphore(%run_scoped3A : memref<!tpu.dma_semaphore, #tpu.memory_space<semaphore_mem>>)
            %dma_wait3A = arith.constant 0 : i32
            %dma_wait3A_47 = tpu.memref_slice %arg11[%multiple_of3A, %dma_wait3A] : memref<50000x32xf32, #tpu.memory_space<vmem_shared>> -> memref<400x32xf32, #tpu.memory_space<vmem_shared>>
            %dma_wait3A_48 = arith.constant 0 : i32
            %dma_wait3A_49 = tpu.memref_slice %arg11[%multiple_of3A, %dma_wait3A_48] : memref<50000x32xf32, #tpu.memory_space<vmem_shared>> -> memref<400x32xf32, #tpu.memory_space<vmem_shared>>
            tpu.wait_dma2 semaphore(%run_scoped3A : memref<!tpu.dma_semaphore, #tpu.memory_space<semaphore_mem>>) src(%dma_wait3A_49 : memref<400x32xf32, #tpu.memory_space<vmem_shared>>) dst(%arg9 : memref<400x32xf32, #tpu.memory_space<vmem>>)
            tpu.yield
          }) : () -> ()
          "tpu.region"() ({
            %run_scoped3A = tpu.sem_alloc : memref<!tpu.dma_semaphore, #tpu.memory_space<semaphore_mem>>
            %dma_start3A = arith.constant 0 : i32
            %dma_start3A_44 = tpu.memref_slice %arg5[%multiple_of3A, %dma_start3A] : memref<50000x32xf32, #tpu.memory_space<hbm>> -> memref<400x32xf32, #tpu.memory_space<hbm>>
            %dma_start3A_45 = arith.constant 0 : i32
            %dma_start3A_46 = tpu.memref_slice %arg5[%multiple_of3A, %dma_start3A_45] : memref<50000x32xf32, #tpu.memory_space<hbm>> -> memref<400x32xf32, #tpu.memory_space<hbm>>
            tpu.enqueue_dma source(%arg9 : memref<400x32xf32, #tpu.memory_space<vmem>>) target(%dma_start3A_46 : memref<400x32xf32, #tpu.memory_space<hbm>>) target_semaphore(%run_scoped3A : memref<!tpu.dma_semaphore, #tpu.memory_space<semaphore_mem>>)
            %dma_wait3A = arith.constant 0 : i32
            %dma_wait3A_47 = tpu.memref_slice %arg5[%multiple_of3A, %dma_wait3A] : memref<50000x32xf32, #tpu.memory_space<hbm>> -> memref<400x32xf32, #tpu.memory_space<hbm>>
            %dma_wait3A_48 = arith.constant 0 : i32
            %dma_wait3A_49 = tpu.memref_slice %arg5[%multiple_of3A, %dma_wait3A_48] : memref<50000x32xf32, #tpu.memory_space<hbm>> -> memref<400x32xf32, #tpu.memory_space<hbm>>
            tpu.wait_dma2 semaphore(%run_scoped3A : memref<!tpu.dma_semaphore, #tpu.memory_space<semaphore_mem>>) src(%arg9 : memref<400x32xf32, #tpu.memory_space<vmem>>) dst(%dma_wait3A_49 : memref<400x32xf32, #tpu.memory_space<hbm>>)
            tpu.yield
          }) : () -> ()
        } else {
        }
      }
      %scan3A_35 = arith.constant 8 : i32
    } else {
    }
    %eq3A_25 = arith.constant 1 : i32
    %eq3A_26 = arith.cmpi eq, %arg0, %eq3A_25 : i32
    %convert_element_type3A_27 = arith.extui %eq3A_26 : i1 to i32
    %cond3A_28 = arith.constant 0 : i32
    %cond3A_29 = arith.cmpi ne, %convert_element_type3A_27, %cond3A_28 : i32
    scf.if %cond3A_29 {
      %scan3A_30 = arith.constant 0 : i32
      %scan3A_31 = arith.constant 0 : i32
      %scan3A_32 = arith.constant 8 : i32
      %scan3A_33 = arith.addi %scan3A_31, %scan3A_32 : i32
      %scan3A_34 = arith.constant 1 : i32
      scf.for %scan3A_36 = %scan3A_31 to %scan3A_33 step %scan3A_34  : i32 {
        %mul3A = arith.constant 16 : i32
        %mul3A_37 = arith.muli %scan3A_36, %mul3A : i32
        %add3A = arith.addi %arg1, %mul3A_37 : i32
        %lt3A = arith.constant 125 : i32
        %lt3A_38 = arith.cmpi slt, %add3A, %lt3A : i32
        %convert_element_type3A_39 = arith.extui %lt3A_38 : i1 to i32
        %cond3A_40 = arith.constant 0 : i32
        %cond3A_41 = arith.cmpi ne, %convert_element_type3A_39, %cond3A_40 : i32
        scf.if %cond3A_41 {
          %mul3A_42 = arith.constant 400 : i32
          %mul3A_43 = arith.muli %add3A, %mul3A_42 : i32
          %multiple_of3A = tpu.assume_multiple %mul3A_43, 8 : i32
          "tpu.region"() ({
            %run_scoped3A = tpu.sem_alloc : memref<!tpu.dma_semaphore, #tpu.memory_space<semaphore_mem>>
            %dma_start3A = arith.constant 0 : i32
            %dma_start3A_44 = tpu.memref_slice %arg11[%multiple_of3A, %dma_start3A] : memref<50000x32xf32, #tpu.memory_space<vmem_shared>> -> memref<400x32xf32, #tpu.memory_space<vmem_shared>>
            %dma_start3A_45 = arith.constant 0 : i32
            %dma_start3A_46 = tpu.memref_slice %arg11[%multiple_of3A, %dma_start3A_45] : memref<50000x32xf32, #tpu.memory_space<vmem_shared>> -> memref<400x32xf32, #tpu.memory_space<vmem_shared>>
            tpu.enqueue_dma source(%dma_start3A_46 : memref<400x32xf32, #tpu.memory_space<vmem_shared>>) target(%arg9 : memref<400x32xf32, #tpu.memory_space<vmem>>) target_semaphore(%run_scoped3A : memref<!tpu.dma_semaphore, #tpu.memory_space<semaphore_mem>>)
            %dma_wait3A = arith.constant 0 : i32
            %dma_wait3A_47 = tpu.memref_slice %arg11[%multiple_of3A, %dma_wait3A] : memref<50000x32xf32, #tpu.memory_space<vmem_shared>> -> memref<400x32xf32, #tpu.memory_space<vmem_shared>>
            %dma_wait3A_48 = arith.constant 0 : i32
            %dma_wait3A_49 = tpu.memref_slice %arg11[%multiple_of3A, %dma_wait3A_48] : memref<50000x32xf32, #tpu.memory_space<vmem_shared>> -> memref<400x32xf32, #tpu.memory_space<vmem_shared>>
            tpu.wait_dma2 semaphore(%run_scoped3A : memref<!tpu.dma_semaphore, #tpu.memory_space<semaphore_mem>>) src(%dma_wait3A_49 : memref<400x32xf32, #tpu.memory_space<vmem_shared>>) dst(%arg9 : memref<400x32xf32, #tpu.memory_space<vmem>>)
            tpu.yield
          }) : () -> ()
          "tpu.region"() ({
            %run_scoped3A = tpu.sem_alloc : memref<!tpu.dma_semaphore, #tpu.memory_space<semaphore_mem>>
            %dma_start3A = arith.constant 0 : i32
            %dma_start3A_44 = tpu.memref_slice %arg6[%multiple_of3A, %dma_start3A] : memref<50000x32xf32, #tpu.memory_space<hbm>> -> memref<400x32xf32, #tpu.memory_space<hbm>>
            %dma_start3A_45 = arith.constant 0 : i32
            %dma_start3A_46 = tpu.memref_slice %arg6[%multiple_of3A, %dma_start3A_45] : memref<50000x32xf32, #tpu.memory_space<hbm>> -> memref<400x32xf32, #tpu.memory_space<hbm>>
            tpu.enqueue_dma source(%arg9 : memref<400x32xf32, #tpu.memory_space<vmem>>) target(%dma_start3A_46 : memref<400x32xf32, #tpu.memory_space<hbm>>) target_semaphore(%run_scoped3A : memref<!tpu.dma_semaphore, #tpu.memory_space<semaphore_mem>>)
            %dma_wait3A = arith.constant 0 : i32
            %dma_wait3A_47 = tpu.memref_slice %arg6[%multiple_of3A, %dma_wait3A] : memref<50000x32xf32, #tpu.memory_space<hbm>> -> memref<400x32xf32, #tpu.memory_space<hbm>>
            %dma_wait3A_48 = arith.constant 0 : i32
            %dma_wait3A_49 = tpu.memref_slice %arg6[%multiple_of3A, %dma_wait3A_48] : memref<50000x32xf32, #tpu.memory_space<hbm>> -> memref<400x32xf32, #tpu.memory_space<hbm>>
            tpu.wait_dma2 semaphore(%run_scoped3A : memref<!tpu.dma_semaphore, #tpu.memory_space<semaphore_mem>>) src(%arg9 : memref<400x32xf32, #tpu.memory_space<vmem>>) dst(%dma_wait3A_49 : memref<400x32xf32, #tpu.memory_space<hbm>>)
            tpu.yield
          }) : () -> ()
        } else {
        }
      }
      %scan3A_35 = arith.constant 8 : i32
    } else {
    }
    return
  }
}

module attributes {stable_mosaic.version = 14 : i64} {
  func.func @_tc1_body(%arg0: i32, %arg1: memref<2000x16xf32, #tpu.memory_space<vmem>>, %arg2: memref<2000x48xf32, #tpu.memory_space<vmem>>, %arg3: memref<16x16xf32, #tpu.memory_space<vmem>>, %arg4: memref<1x16xf32, #tpu.memory_space<vmem>>, %arg5: memref<16x16xf32, #tpu.memory_space<vmem>>, %arg6: memref<1x16xf32, #tpu.memory_space<vmem>>, %arg7: memref<16x16xf32, #tpu.memory_space<vmem>>, %arg8: memref<16x16xf32, #tpu.memory_space<vmem>>, %arg9: memref<16x16xf32, #tpu.memory_space<vmem>>, %arg10: memref<16x16xf32, #tpu.memory_space<vmem>>, %arg11: memref<16x16xf32, #tpu.memory_space<vmem>>, %arg12: memref<2000x64xf32, #tpu.memory_space<vmem>>, %arg13: memref<2000x64xf32, #tpu.memory_space<vmem>>) attributes {dimension_semantics = [#tpu.dimension_semantics<arbitrary>], iteration_bounds = array<i64: 25>, scalar_prefetch = 0 : i64, scratch_operands = 0 : i64, tpu.core_type = #tpu.core_type<tc>, window_params = [{transform_indices = @transform_0, window_bounds = array<i64: 2000, 16>}, {transform_indices = @transform_1, window_bounds = array<i64: 2000, 48>}, {pipeline_mode = #tpu.pipeline_mode<synchronous>, transform_indices = @transform_2, window_bounds = array<i64: 16, 16>}, {pipeline_mode = #tpu.pipeline_mode<synchronous>, transform_indices = @transform_3, window_bounds = array<i64: 1, 16>}, {pipeline_mode = #tpu.pipeline_mode<synchronous>, transform_indices = @transform_4, window_bounds = array<i64: 16, 16>}, {pipeline_mode = #tpu.pipeline_mode<synchronous>, transform_indices = @transform_5, window_bounds = array<i64: 1, 16>}, {pipeline_mode = #tpu.pipeline_mode<synchronous>, transform_indices = @transform_6, window_bounds = array<i64: 16, 16>}, {pipeline_mode = #tpu.pipeline_mode<synchronous>, transform_indices = @transform_7, window_bounds = array<i64: 16, 16>}, {pipeline_mode = #tpu.pipeline_mode<synchronous>, transform_indices = @transform_8, window_bounds = array<i64: 16, 16>}, {pipeline_mode = #tpu.pipeline_mode<synchronous>, transform_indices = @transform_9, window_bounds = array<i64: 16, 16>}, {pipeline_mode = #tpu.pipeline_mode<synchronous>, transform_indices = @transform_10, window_bounds = array<i64: 16, 16>}, {transform_indices = @transform_11, window_bounds = array<i64: 2000, 64>}, {transform_indices = @transform_12, window_bounds = array<i64: 2000, 64>}]} {
    %get3A = arith.constant 0 : index
    %get3A_0 = arith.constant 0 : index
    %get3A_1 = vector.load %arg1[%get3A, %get3A_0] : memref<2000x16xf32, #tpu.memory_space<vmem>>, vector<2000x16xf32>
    %get3A_2 = arith.constant 0 : index
    %get3A_3 = arith.constant 0 : index
    %get3A_4 = vector.load %arg3[%get3A_2, %get3A_3] : memref<16x16xf32, #tpu.memory_space<vmem>>, vector<16x16xf32>
    %dot_general3A = arith.constant dense<0.000000e+00> : vector<2000x16xf32>
    %dot_general3A_5 = tpu.matmul %get3A_1, %get3A_4, %dot_general3A {dimension_numbers = #tpu.dot_dimension_numbers<[1], [0], [0], [1], [0, 0, 1, 1], [], []>, transpose_lhs_hint = false} : vector<2000x16xf32>, vector<16x16xf32>, vector<2000x16xf32> -> vector<2000x16xf32>
    %get3A_6 = arith.constant 0 : index
    %get3A_7 = arith.constant 0 : index
    %get3A_8 = vector.load %arg4[%get3A_6, %get3A_7] : memref<1x16xf32, #tpu.memory_space<vmem>>, vector<1x16xf32>
    %add3A = vector.broadcast %get3A_8 : vector<1x16xf32> to vector<2000x16xf32>
    %add3A_9 = arith.addf %dot_general3A_5, %add3A : vector<2000x16xf32>
    %tanh3A = math.tanh %add3A_9 : vector<2000x16xf32>
    %get3A_10 = arith.constant 0 : index
    %get3A_11 = arith.constant 0 : index
    %get3A_12 = vector.load %arg5[%get3A_10, %get3A_11] : memref<16x16xf32, #tpu.memory_space<vmem>>, vector<16x16xf32>
    %dot_general3A_13 = arith.constant dense<0.000000e+00> : vector<2000x16xf32>
    %dot_general3A_14 = tpu.matmul %tanh3A, %get3A_12, %dot_general3A_13 {dimension_numbers = #tpu.dot_dimension_numbers<[1], [0], [0], [1], [0, 0, 1, 1], [], []>, transpose_lhs_hint = false} : vector<2000x16xf32>, vector<16x16xf32>, vector<2000x16xf32> -> vector<2000x16xf32>
    %get3A_15 = arith.constant 0 : index
    %get3A_16 = arith.constant 0 : index
    %get3A_17 = vector.load %arg6[%get3A_15, %get3A_16] : memref<1x16xf32, #tpu.memory_space<vmem>>, vector<1x16xf32>
    %add3A_18 = vector.broadcast %get3A_17 : vector<1x16xf32> to vector<2000x16xf32>
    %add3A_19 = arith.addf %dot_general3A_14, %add3A_18 : vector<2000x16xf32>
    %tanh3A_20 = math.tanh %add3A_19 : vector<2000x16xf32>
    %get3A_21 = arith.constant 0 : index
    %get3A_22 = arith.constant 0 : index
    %get3A_23 = vector.load %arg7[%get3A_21, %get3A_22] : memref<16x16xf32, #tpu.memory_space<vmem>>, vector<16x16xf32>
    %dot_general3A_24 = arith.constant dense<0.000000e+00> : vector<2000x16xf32>
    %dot_general3A_25 = tpu.matmul %tanh3A_20, %get3A_23, %dot_general3A_24 {dimension_numbers = #tpu.dot_dimension_numbers<[1], [0], [0], [1], [0, 0, 1, 1], [], []>, transpose_lhs_hint = false} : vector<2000x16xf32>, vector<16x16xf32>, vector<2000x16xf32> -> vector<2000x16xf32>
    %get3A_26 = arith.constant 0 : index
    %get3A_27 = arith.constant 0 : index
    %get3A_28 = vector.load %arg8[%get3A_26, %get3A_27] : memref<16x16xf32, #tpu.memory_space<vmem>>, vector<16x16xf32>
    %dot_general3A_29 = arith.constant dense<0.000000e+00> : vector<2000x16xf32>
    %dot_general3A_30 = tpu.matmul %tanh3A_20, %get3A_28, %dot_general3A_29 {dimension_numbers = #tpu.dot_dimension_numbers<[1], [0], [0], [1], [0, 0, 1, 1], [], []>, transpose_lhs_hint = false} : vector<2000x16xf32>, vector<16x16xf32>, vector<2000x16xf32> -> vector<2000x16xf32>
    %get3A_31 = arith.constant 0 : index
    %get3A_32 = arith.constant 0 : index
    %get3A_33 = vector.load %arg9[%get3A_31, %get3A_32] : memref<16x16xf32, #tpu.memory_space<vmem>>, vector<16x16xf32>
    %get3A_34 = arith.constant 0 : index
    %get3A_35 = arith.constant 0 : index
    %get3A_36 = vector.load %arg10[%get3A_34, %get3A_35] : memref<16x16xf32, #tpu.memory_space<vmem>>, vector<16x16xf32>
    %dot_general3A_37 = arith.constant dense<0.000000e+00> : vector<16x16xf32>
    %dot_general3A_38 = tpu.matmul %get3A_33, %get3A_36, %dot_general3A_37 {dimension_numbers = #tpu.dot_dimension_numbers<[1], [0], [0], [1], [0, 0, 1, 1], [], []>, transpose_lhs_hint = false} : vector<16x16xf32>, vector<16x16xf32>, vector<16x16xf32> -> vector<16x16xf32>
    %get3A_39 = arith.constant 0 : index
    %get3A_40 = arith.constant 0 : index
    %get3A_41 = vector.load %arg9[%get3A_39, %get3A_40] : memref<16x16xf32, #tpu.memory_space<vmem>>, vector<16x16xf32>
    %get3A_42 = arith.constant 0 : index
    %get3A_43 = arith.constant 0 : index
    %get3A_44 = vector.load %arg11[%get3A_42, %get3A_43] : memref<16x16xf32, #tpu.memory_space<vmem>>, vector<16x16xf32>
    %dot_general3A_45 = arith.constant dense<0.000000e+00> : vector<16x16xf32>
    %dot_general3A_46 = tpu.matmul %get3A_41, %get3A_44, %dot_general3A_45 {dimension_numbers = #tpu.dot_dimension_numbers<[1], [0], [0], [1], [0, 0, 1, 1], [], []>, transpose_lhs_hint = false} : vector<16x16xf32>, vector<16x16xf32>, vector<16x16xf32> -> vector<16x16xf32>
    %get3A_47 = arith.constant 0 : index
    %get3A_48 = arith.constant 0 : index
    %get3A_49 = vector.load %arg2[%get3A_47, %get3A_48] : memref<2000x48xf32, #tpu.memory_space<vmem>>, vector<2000x48xf32>
    %slice3A = vector.extract_strided_slice %get3A_49 {offsets = [0, 0], sizes = [2000, 16], strides = [1, 1]} : vector<2000x48xf32> to vector<2000x16xf32>
    %dot_general3A_50 = arith.constant dense<0.000000e+00> : vector<2000x16xf32>
    %dot_general3A_51 = tpu.matmul %slice3A, %dot_general3A_38, %dot_general3A_50 {dimension_numbers = #tpu.dot_dimension_numbers<[1], [0], [0], [1], [0, 0, 1, 1], [], []>, transpose_lhs_hint = false} : vector<2000x16xf32>, vector<16x16xf32>, vector<2000x16xf32> -> vector<2000x16xf32>
    %dot_general3A_52 = arith.constant dense<0.000000e+00> : vector<2000x16xf32>
    %dot_general3A_53 = tpu.matmul %slice3A, %dot_general3A_46, %dot_general3A_52 {dimension_numbers = #tpu.dot_dimension_numbers<[1], [0], [0], [1], [0, 0, 1, 1], [], []>, transpose_lhs_hint = false} : vector<2000x16xf32>, vector<16x16xf32>, vector<2000x16xf32> -> vector<2000x16xf32>
    %slice3A_54 = vector.extract_strided_slice %get3A_49 {offsets = [0, 16], sizes = [2000, 16], strides = [1, 1]} : vector<2000x48xf32> to vector<2000x16xf32>
    %dot_general3A_55 = arith.constant dense<0.000000e+00> : vector<2000x16xf32>
    %dot_general3A_56 = tpu.matmul %slice3A_54, %dot_general3A_38, %dot_general3A_55 {dimension_numbers = #tpu.dot_dimension_numbers<[1], [0], [0], [1], [0, 0, 1, 1], [], []>, transpose_lhs_hint = false} : vector<2000x16xf32>, vector<16x16xf32>, vector<2000x16xf32> -> vector<2000x16xf32>
    %dot_general3A_57 = arith.constant dense<0.000000e+00> : vector<2000x16xf32>
    %dot_general3A_58 = tpu.matmul %slice3A_54, %dot_general3A_46, %dot_general3A_57 {dimension_numbers = #tpu.dot_dimension_numbers<[1], [0], [0], [1], [0, 0, 1, 1], [], []>, transpose_lhs_hint = false} : vector<2000x16xf32>, vector<16x16xf32>, vector<2000x16xf32> -> vector<2000x16xf32>
    %slice3A_59 = vector.extract_strided_slice %get3A_49 {offsets = [0, 32], sizes = [2000, 16], strides = [1, 1]} : vector<2000x48xf32> to vector<2000x16xf32>
    %dot_general3A_60 = arith.constant dense<0.000000e+00> : vector<2000x16xf32>
    %dot_general3A_61 = tpu.matmul %slice3A_59, %dot_general3A_38, %dot_general3A_60 {dimension_numbers = #tpu.dot_dimension_numbers<[1], [0], [0], [1], [0, 0, 1, 1], [], []>, transpose_lhs_hint = false} : vector<2000x16xf32>, vector<16x16xf32>, vector<2000x16xf32> -> vector<2000x16xf32>
    %dot_general3A_62 = arith.constant dense<0.000000e+00> : vector<2000x16xf32>
    %dot_general3A_63 = tpu.matmul %slice3A_59, %dot_general3A_46, %dot_general3A_62 {dimension_numbers = #tpu.dot_dimension_numbers<[1], [0], [0], [1], [0, 0, 1, 1], [], []>, transpose_lhs_hint = false} : vector<2000x16xf32>, vector<16x16xf32>, vector<2000x16xf32> -> vector<2000x16xf32>
    %concatenate3A = tpu.concatenate %dot_general3A_25, %dot_general3A_51, %dot_general3A_56, %dot_general3A_61 in 1 : vector<2000x16xf32>, vector<2000x16xf32>, vector<2000x16xf32>, vector<2000x16xf32> -> vector<2000x64xf32>
    %swap3A = arith.constant 0 : index
    %swap3A_64 = arith.constant 0 : index
    %swap3A_65 = vector.load %arg12[%swap3A, %swap3A_64] : memref<2000x64xf32, #tpu.memory_space<vmem>>, vector<2000x64xf32>
    tpu.vector_store %arg12[%swap3A, %swap3A_64], %concatenate3A {strides = array<i32>} : memref<2000x64xf32, #tpu.memory_space<vmem>>, vector<2000x64xf32>,
    %concatenate3A_66 = tpu.concatenate %dot_general3A_30, %dot_general3A_53, %dot_general3A_58, %dot_general3A_63 in 1 : vector<2000x16xf32>, vector<2000x16xf32>, vector<2000x16xf32>, vector<2000x16xf32> -> vector<2000x64xf32>
    %swap3A_67 = arith.constant 0 : index
    %swap3A_68 = arith.constant 0 : index
    %swap3A_69 = vector.load %arg13[%swap3A_67, %swap3A_68] : memref<2000x64xf32, #tpu.memory_space<vmem>>, vector<2000x64xf32>
    tpu.vector_store %arg13[%swap3A_67, %swap3A_68], %concatenate3A_66 {strides = array<i32>} : memref<2000x64xf32, #tpu.memory_space<vmem>>, vector<2000x64xf32>,
    return
  }
  func.func @transform_0(%arg0: i32) -> (i32, i32) {
    %c0_i32 = arith.constant 0 : i32
    %c0_i32_0 = arith.constant 0 : i32
    return %arg0, %c0_i32 : i32, i32
  }
  func.func @transform_1(%arg0: i32) -> (i32, i32) {
    %c0_i32 = arith.constant 0 : i32
    %c0_i32_0 = arith.constant 0 : i32
    return %arg0, %c0_i32 : i32, i32
  }
  func.func @transform_2(%arg0: i32) -> (i32, i32) {
    %c0_i32 = arith.constant 0 : i32
    %c0_i32_0 = arith.constant 0 : i32
    %c0_i32_1 = arith.constant 0 : i32
    return %c0_i32, %c0_i32_0 : i32, i32
  }
  func.func @transform_3(%arg0: i32) -> (i32, i32) {
    %c0_i32 = arith.constant 0 : i32
    %c0_i32_0 = arith.constant 0 : i32
    %c0_i32_1 = arith.constant 0 : i32
    return %c0_i32, %c0_i32_0 : i32, i32
  }
  func.func @transform_4(%arg0: i32) -> (i32, i32) {
    %c0_i32 = arith.constant 0 : i32
    %c0_i32_0 = arith.constant 0 : i32
    %c0_i32_1 = arith.constant 0 : i32
    return %c0_i32, %c0_i32_0 : i32, i32
  }
  func.func @transform_5(%arg0: i32) -> (i32, i32) {
    %c0_i32 = arith.constant 0 : i32
    %c0_i32_0 = arith.constant 0 : i32
    %c0_i32_1 = arith.constant 0 : i32
    return %c0_i32, %c0_i32_0 : i32, i32
  }
  func.func @transform_6(%arg0: i32) -> (i32, i32) {
    %c0_i32 = arith.constant 0 : i32
    %c0_i32_0 = arith.constant 0 : i32
    %c0_i32_1 = arith.constant 0 : i32
    return %c0_i32, %c0_i32_0 : i32, i32
  }
  func.func @transform_7(%arg0: i32) -> (i32, i32) {
    %c0_i32 = arith.constant 0 : i32
    %c0_i32_0 = arith.constant 0 : i32
    %c0_i32_1 = arith.constant 0 : i32
    return %c0_i32, %c0_i32_0 : i32, i32
  }
  func.func @transform_8(%arg0: i32) -> (i32, i32) {
    %c0_i32 = arith.constant 0 : i32
    %c0_i32_0 = arith.constant 0 : i32
    %c0_i32_1 = arith.constant 0 : i32
    return %c0_i32, %c0_i32_0 : i32, i32
  }
  func.func @transform_9(%arg0: i32) -> (i32, i32) {
    %c0_i32 = arith.constant 0 : i32
    %c0_i32_0 = arith.constant 0 : i32
    %c0_i32_1 = arith.constant 0 : i32
    return %c0_i32, %c0_i32_0 : i32, i32
  }
  func.func @transform_10(%arg0: i32) -> (i32, i32) {
    %c0_i32 = arith.constant 0 : i32
    %c0_i32_0 = arith.constant 0 : i32
    %c0_i32_1 = arith.constant 0 : i32
    return %c0_i32, %c0_i32_0 : i32, i32
  }
  func.func @transform_11(%arg0: i32) -> (i32, i32) {
    %c0_i32 = arith.constant 0 : i32
    %c0_i32_0 = arith.constant 0 : i32
    return %arg0, %c0_i32 : i32, i32
  }
  func.func @transform_12(%arg0: i32) -> (i32, i32) {
    %c0_i32 = arith.constant 0 : i32
    %c0_i32_0 = arith.constant 0 : i32
    return %arg0, %c0_i32 : i32, i32
  }
}

module attributes {stable_mosaic.version = 14 : i64} {
  func.func @_tc2_body(%arg0: i32, %arg1: memref<2000x64xf32, #tpu.memory_space<vmem>>, %arg2: memref<2000x64xf32, #tpu.memory_space<vmem>>, %arg3: memref<2000x3xf32, #tpu.memory_space<vmem>>, %arg4: memref<2000x4xf32, #tpu.memory_space<vmem>>, %arg5: memref<16x64xf32, #tpu.memory_space<vmem>>, %arg6: memref<1x16xf32, #tpu.memory_space<vmem>>, %arg7: memref<1x64xf32, #tpu.memory_space<vmem>>, %arg8: memref<64x16xf32, #tpu.memory_space<vmem>>, %arg9: memref<16x48xf32, #tpu.memory_space<vmem>>, %arg10: memref<64x16xf32, #tpu.memory_space<vmem>>, %arg11: memref<4x64xf32, #tpu.memory_space<vmem>>, %arg12: memref<3x64xf32, #tpu.memory_space<vmem>>, %arg13: memref<48x64xf32, #tpu.memory_space<vmem>>, %arg14: memref<48x64xf32, #tpu.memory_space<vmem>>, %arg15: memref<48x32xf32, #tpu.memory_space<vmem>>, %arg16: memref<64x32xf32, #tpu.memory_space<vmem>>, %arg17: memref<64x32xf32, #tpu.memory_space<vmem>>, %arg18: memref<2000x32xf32, #tpu.memory_space<vmem>>, %arg19: memref<2000x32xf32, #tpu.memory_space<vmem>>) attributes {dimension_semantics = [#tpu.dimension_semantics<arbitrary>], iteration_bounds = array<i64: 800>, scalar_prefetch = 0 : i64, scratch_operands = 0 : i64, tpu.core_type = #tpu.core_type<tc>, window_params = [{transform_indices = @transform_0, window_bounds = array<i64: 2000, 64>}, {transform_indices = @transform_1, window_bounds = array<i64: 2000, 64>}, {transform_indices = @transform_2, window_bounds = array<i64: 2000, 3>}, {transform_indices = @transform_3, window_bounds = array<i64: 2000, 4>}, {pipeline_mode = #tpu.pipeline_mode<synchronous>, transform_indices = @transform_4, window_bounds = array<i64: 16, 64>}, {pipeline_mode = #tpu.pipeline_mode<synchronous>, transform_indices = @transform_5, window_bounds = array<i64: 1, 16>}, {pipeline_mode = #tpu.pipeline_mode<synchronous>, transform_indices = @transform_6, window_bounds = array<i64: 1, 64>}, {pipeline_mode = #tpu.pipeline_mode<synchronous>, transform_indices = @transform_7, window_bounds = array<i64: 64, 16>}, {pipeline_mode = #tpu.pipeline_mode<synchronous>, transform_indices = @transform_8, window_bounds = array<i64: 16, 48>}, {pipeline_mode = #tpu.pipeline_mode<synchronous>, transform_indices = @transform_9, window_bounds = array<i64: 64, 16>}, {pipeline_mode = #tpu.pipeline_mode<synchronous>, transform_indices = @transform_10, window_bounds = array<i64: 4, 64>}, {pipeline_mode = #tpu.pipeline_mode<synchronous>, transform_indices = @transform_11, window_bounds = array<i64: 3, 64>}, {pipeline_mode = #tpu.pipeline_mode<synchronous>, transform_indices = @transform_12, window_bounds = array<i64: 48, 64>}, {pipeline_mode = #tpu.pipeline_mode<synchronous>, transform_indices = @transform_13, window_bounds = array<i64: 48, 64>}, {pipeline_mode = #tpu.pipeline_mode<synchronous>, transform_indices = @transform_14, window_bounds = array<i64: 48, 32>}, {pipeline_mode = #tpu.pipeline_mode<synchronous>, transform_indices = @transform_15, window_bounds = array<i64: 64, 32>}, {pipeline_mode = #tpu.pipeline_mode<synchronous>, transform_indices = @transform_16, window_bounds = array<i64: 64, 32>}, {transform_indices = @transform_17, window_bounds = array<i64: 2000, 32>}, {transform_indices = @transform_18, window_bounds = array<i64: 2000, 32>}]} {
    %get3A = arith.constant 0 : index
    %get3A_0 = arith.constant 0 : index
    %get3A_1 = vector.load %arg1[%get3A, %get3A_0] : memref<2000x64xf32, #tpu.memory_space<vmem>>, vector<2000x64xf32>
    %get3A_2 = arith.constant 0 : index
    %get3A_3 = arith.constant 0 : index
    %get3A_4 = vector.load %arg2[%get3A_2, %get3A_3] : memref<2000x64xf32, #tpu.memory_space<vmem>>, vector<2000x64xf32>
    %add3A = arith.addf %get3A_1, %get3A_4 : vector<2000x64xf32>
    %get3A_5 = arith.constant 0 : index
    %get3A_6 = arith.constant 0 : index
    %get3A_7 = vector.load %arg10[%get3A_5, %get3A_6] : memref<64x16xf32, #tpu.memory_space<vmem>>, vector<64x16xf32>
    %dot_general3A = arith.constant dense<0.000000e+00> : vector<2000x16xf32>
    %dot_general3A_8 = tpu.matmul %add3A, %get3A_7, %dot_general3A {dimension_numbers = #tpu.dot_dimension_numbers<[1], [0], [0], [1], [0, 0, 1, 1], [], []>, transpose_lhs_hint = false} : vector<2000x64xf32>, vector<64x16xf32>, vector<2000x16xf32> -> vector<2000x16xf32>
    %get3A_9 = arith.constant 0 : index
    %get3A_10 = arith.constant 0 : index
    %get3A_11 = vector.load %arg6[%get3A_9, %get3A_10] : memref<1x16xf32, #tpu.memory_space<vmem>>, vector<1x16xf32>
    %add3A_12 = vector.broadcast %get3A_11 : vector<1x16xf32> to vector<2000x16xf32>
    %add3A_13 = arith.addf %dot_general3A_8, %add3A_12 : vector<2000x16xf32>
    %tanh3A = math.tanh %add3A_13 : vector<2000x16xf32>
    %get3A_14 = arith.constant 0 : index
    %get3A_15 = arith.constant 0 : index
    %get3A_16 = vector.load %arg5[%get3A_14, %get3A_15] : memref<16x64xf32, #tpu.memory_space<vmem>>, vector<16x64xf32>
    %dot_general3A_17 = arith.constant dense<0.000000e+00> : vector<2000x64xf32>
    %dot_general3A_18 = tpu.matmul %tanh3A, %get3A_16, %dot_general3A_17 {dimension_numbers = #tpu.dot_dimension_numbers<[1], [0], [0], [1], [0, 0, 1, 1], [], []>, transpose_lhs_hint = false} : vector<2000x16xf32>, vector<16x64xf32>, vector<2000x64xf32> -> vector<2000x64xf32>
    %get3A_19 = arith.constant 0 : index
    %get3A_20 = arith.constant 0 : index
    %get3A_21 = vector.load %arg7[%get3A_19, %get3A_20] : memref<1x64xf32, #tpu.memory_space<vmem>>, vector<1x64xf32>
    %add3A_22 = vector.broadcast %get3A_21 : vector<1x64xf32> to vector<2000x64xf32>
    %add3A_23 = arith.addf %dot_general3A_18, %add3A_22 : vector<2000x64xf32>
    %tanh3A_24 = math.tanh %add3A_23 : vector<2000x64xf32>
    %get3A_25 = arith.constant 0 : index
    %get3A_26 = arith.constant 0 : index
    %get3A_27 = vector.load %arg4[%get3A_25, %get3A_26] : memref<2000x4xf32, #tpu.memory_space<vmem>>, vector<2000x4xf32>
    %get3A_28 = arith.constant 0 : index
    %get3A_29 = arith.constant 0 : index
    %get3A_30 = vector.load %arg11[%get3A_28, %get3A_29] : memref<4x64xf32, #tpu.memory_space<vmem>>, vector<4x64xf32>
    %dot_general3A_31 = arith.constant dense<0.000000e+00> : vector<2000x64xf32>
    %dot_general3A_32 = tpu.matmul %get3A_27, %get3A_30, %dot_general3A_31 {dimension_numbers = #tpu.dot_dimension_numbers<[1], [0], [0], [1], [0, 0, 1, 1], [], []>, transpose_lhs_hint = false} : vector<2000x4xf32>, vector<4x64xf32>, vector<2000x64xf32> -> vector<2000x64xf32>
    %mul3A = arith.mulf %tanh3A_24, %dot_general3A_32 : vector<2000x64xf32>
    %get3A_33 = arith.constant 0 : index
    %get3A_34 = arith.constant 0 : index
    %get3A_35 = vector.load %arg8[%get3A_33, %get3A_34] : memref<64x16xf32, #tpu.memory_space<vmem>>, vector<64x16xf32>
    %dot_general3A_36 = arith.constant dense<0.000000e+00> : vector<2000x16xf32>
    %dot_general3A_37 = tpu.matmul %mul3A, %get3A_35, %dot_general3A_36 {dimension_numbers = #tpu.dot_dimension_numbers<[1], [0], [0], [1], [0, 0, 1, 1], [], []>, transpose_lhs_hint = false} : vector<2000x64xf32>, vector<64x16xf32>, vector<2000x16xf32> -> vector<2000x16xf32>
    %tanh3A_38 = math.tanh %dot_general3A_37 : vector<2000x16xf32>
    %get3A_39 = arith.constant 0 : index
    %get3A_40 = arith.constant 0 : index
    %get3A_41 = vector.load %arg9[%get3A_39, %get3A_40] : memref<16x48xf32, #tpu.memory_space<vmem>>, vector<16x48xf32>
    %dot_general3A_42 = arith.constant dense<0.000000e+00> : vector<2000x48xf32>
    %dot_general3A_43 = tpu.matmul %tanh3A_38, %get3A_41, %dot_general3A_42 {dimension_numbers = #tpu.dot_dimension_numbers<[1], [0], [0], [1], [0, 0, 1, 1], [], []>, transpose_lhs_hint = false} : vector<2000x16xf32>, vector<16x48xf32>, vector<2000x48xf32> -> vector<2000x48xf32>
    %tanh3A_44 = math.tanh %dot_general3A_43 : vector<2000x48xf32>
    %get3A_45 = arith.constant 0 : index
    %get3A_46 = arith.constant 0 : index
    %get3A_47 = vector.load %arg3[%get3A_45, %get3A_46] : memref<2000x3xf32, #tpu.memory_space<vmem>>, vector<2000x3xf32>
    %get3A_48 = arith.constant 0 : index
    %get3A_49 = arith.constant 0 : index
    %get3A_50 = vector.load %arg12[%get3A_48, %get3A_49] : memref<3x64xf32, #tpu.memory_space<vmem>>, vector<3x64xf32>
    %dot_general3A_51 = arith.constant dense<0.000000e+00> : vector<2000x64xf32>
    %dot_general3A_52 = tpu.matmul %get3A_47, %get3A_50, %dot_general3A_51 {dimension_numbers = #tpu.dot_dimension_numbers<[1], [0], [0], [1], [0, 0, 1, 1], [], []>, transpose_lhs_hint = false} : vector<2000x3xf32>, vector<3x64xf32>, vector<2000x64xf32> -> vector<2000x64xf32>
    %get3A_53 = arith.constant 0 : index
    %get3A_54 = arith.constant 0 : index
    %get3A_55 = vector.load %arg14[%get3A_53, %get3A_54] : memref<48x64xf32, #tpu.memory_space<vmem>>, vector<48x64xf32>
    %dot_general3A_56 = arith.constant dense<0.000000e+00> : vector<2000x64xf32>
    %dot_general3A_57 = tpu.matmul %tanh3A_44, %get3A_55, %dot_general3A_56 {dimension_numbers = #tpu.dot_dimension_numbers<[1], [0], [0], [1], [0, 0, 1, 1], [], []>, transpose_lhs_hint = false} : vector<2000x48xf32>, vector<48x64xf32>, vector<2000x64xf32> -> vector<2000x64xf32>
    %get3A_58 = arith.constant 0 : index
    %get3A_59 = arith.constant 0 : index
    %get3A_60 = vector.load %arg13[%get3A_58, %get3A_59] : memref<48x64xf32, #tpu.memory_space<vmem>>, vector<48x64xf32>
    %dot_general3A_61 = arith.constant dense<0.000000e+00> : vector<2000x64xf32>
    %dot_general3A_62 = tpu.matmul %tanh3A_44, %get3A_60, %dot_general3A_61 {dimension_numbers = #tpu.dot_dimension_numbers<[1], [0], [0], [1], [0, 0, 1, 1], [], []>, transpose_lhs_hint = false} : vector<2000x48xf32>, vector<48x64xf32>, vector<2000x64xf32> -> vector<2000x64xf32>
    %mul3A_63 = arith.mulf %add3A, %dot_general3A_57 : vector<2000x64xf32>
    %mul3A_64 = arith.mulf %dot_general3A_52, %dot_general3A_62 : vector<2000x64xf32>
    %add3A_65 = arith.addf %mul3A_63, %mul3A_64 : vector<2000x64xf32>
    %get3A_66 = arith.constant 0 : index
    %get3A_67 = arith.constant 0 : index
    %get3A_68 = vector.load %arg15[%get3A_66, %get3A_67] : memref<48x32xf32, #tpu.memory_space<vmem>>, vector<48x32xf32>
    %dot_general3A_69 = arith.constant dense<0.000000e+00> : vector<2000x32xf32>
    %dot_general3A_70 = tpu.matmul %tanh3A_44, %get3A_68, %dot_general3A_69 {dimension_numbers = #tpu.dot_dimension_numbers<[1], [0], [0], [1], [0, 0, 1, 1], [], []>, transpose_lhs_hint = false} : vector<2000x48xf32>, vector<48x32xf32>, vector<2000x32xf32> -> vector<2000x32xf32>
    %get3A_71 = arith.constant 0 : index
    %get3A_72 = arith.constant 0 : index
    %get3A_73 = vector.load %arg16[%get3A_71, %get3A_72] : memref<64x32xf32, #tpu.memory_space<vmem>>, vector<64x32xf32>
    %dot_general3A_74 = arith.constant dense<0.000000e+00> : vector<2000x32xf32>
    %dot_general3A_75 = tpu.matmul %add3A_65, %get3A_73, %dot_general3A_74 {dimension_numbers = #tpu.dot_dimension_numbers<[1], [0], [0], [1], [0, 0, 1, 1], [], []>, transpose_lhs_hint = false} : vector<2000x64xf32>, vector<64x32xf32>, vector<2000x32xf32> -> vector<2000x32xf32>
    %add3A_76 = arith.addf %dot_general3A_70, %dot_general3A_75 : vector<2000x32xf32>
    %swap3A = arith.constant 0 : index
    %swap3A_77 = arith.constant 0 : index
    %swap3A_78 = vector.load %arg18[%swap3A, %swap3A_77] : memref<2000x32xf32, #tpu.memory_space<vmem>>, vector<2000x32xf32>
    tpu.vector_store %arg18[%swap3A, %swap3A_77], %add3A_76 {strides = array<i32>} : memref<2000x32xf32, #tpu.memory_space<vmem>>, vector<2000x32xf32>,
    %get3A_79 = arith.constant 0 : index
    %get3A_80 = arith.constant 0 : index
    %get3A_81 = vector.load %arg17[%get3A_79, %get3A_80] : memref<64x32xf32, #tpu.memory_space<vmem>>, vector<64x32xf32>
    %dot_general3A_82 = arith.constant dense<0.000000e+00> : vector<2000x32xf32>
    %dot_general3A_83 = tpu.matmul %add3A_65, %get3A_81, %dot_general3A_82 {dimension_numbers = #tpu.dot_dimension_numbers<[1], [0], [0], [1], [0, 0, 1, 1], [], []>, transpose_lhs_hint = false} : vector<2000x64xf32>, vector<64x32xf32>, vector<2000x32xf32> -> vector<2000x32xf32>
    %swap3A_84 = arith.constant 0 : index
    %swap3A_85 = arith.constant 0 : index
    %swap3A_86 = vector.load %arg19[%swap3A_84, %swap3A_85] : memref<2000x32xf32, #tpu.memory_space<vmem>>, vector<2000x32xf32>
    tpu.vector_store %arg19[%swap3A_84, %swap3A_85], %dot_general3A_83 {strides = array<i32>} : memref<2000x32xf32, #tpu.memory_space<vmem>>, vector<2000x32xf32>,
    return
  }
  func.func @transform_0(%arg0: i32) -> (i32, i32) {
    %c0_i32 = arith.constant 0 : i32
    %c0_i32_0 = arith.constant 0 : i32
    return %arg0, %c0_i32 : i32, i32
  }
  func.func @transform_1(%arg0: i32) -> (i32, i32) {
    %c0_i32 = arith.constant 0 : i32
    %c0_i32_0 = arith.constant 0 : i32
    return %arg0, %c0_i32 : i32, i32
  }
  func.func @transform_2(%arg0: i32) -> (i32, i32) {
    %c0_i32 = arith.constant 0 : i32
    %c0_i32_0 = arith.constant 0 : i32
    return %arg0, %c0_i32 : i32, i32
  }
  func.func @transform_3(%arg0: i32) -> (i32, i32) {
    %c0_i32 = arith.constant 0 : i32
    %c0_i32_0 = arith.constant 0 : i32
    return %arg0, %c0_i32 : i32, i32
  }
  func.func @transform_4(%arg0: i32) -> (i32, i32) {
    %c0_i32 = arith.constant 0 : i32
    %c0_i32_0 = arith.constant 0 : i32
    %c0_i32_1 = arith.constant 0 : i32
    return %c0_i32, %c0_i32_0 : i32, i32
  }
  func.func @transform_5(%arg0: i32) -> (i32, i32) {
    %c0_i32 = arith.constant 0 : i32
    %c0_i32_0 = arith.constant 0 : i32
    %c0_i32_1 = arith.constant 0 : i32
    return %c0_i32, %c0_i32_0 : i32, i32
  }
  func.func @transform_6(%arg0: i32) -> (i32, i32) {
    %c0_i32 = arith.constant 0 : i32
    %c0_i32_0 = arith.constant 0 : i32
    %c0_i32_1 = arith.constant 0 : i32
    return %c0_i32, %c0_i32_0 : i32, i32
  }
  func.func @transform_7(%arg0: i32) -> (i32, i32) {
    %c0_i32 = arith.constant 0 : i32
    %c0_i32_0 = arith.constant 0 : i32
    %c0_i32_1 = arith.constant 0 : i32
    return %c0_i32, %c0_i32_0 : i32, i32
  }
  func.func @transform_8(%arg0: i32) -> (i32, i32) {
    %c0_i32 = arith.constant 0 : i32
    %c0_i32_0 = arith.constant 0 : i32
    %c0_i32_1 = arith.constant 0 : i32
    return %c0_i32, %c0_i32_0 : i32, i32
  }
  func.func @transform_9(%arg0: i32) -> (i32, i32) {
    %c0_i32 = arith.constant 0 : i32
    %c0_i32_0 = arith.constant 0 : i32
    %c0_i32_1 = arith.constant 0 : i32
    return %c0_i32, %c0_i32_0 : i32, i32
  }
  func.func @transform_10(%arg0: i32) -> (i32, i32) {
    %c0_i32 = arith.constant 0 : i32
    %c0_i32_0 = arith.constant 0 : i32
    %c0_i32_1 = arith.constant 0 : i32
    return %c0_i32, %c0_i32_0 : i32, i32
  }
  func.func @transform_11(%arg0: i32) -> (i32, i32) {
    %c0_i32 = arith.constant 0 : i32
    %c0_i32_0 = arith.constant 0 : i32
    %c0_i32_1 = arith.constant 0 : i32
    return %c0_i32, %c0_i32_0 : i32, i32
  }
  func.func @transform_12(%arg0: i32) -> (i32, i32) {
    %c0_i32 = arith.constant 0 : i32
    %c0_i32_0 = arith.constant 0 : i32
    %c0_i32_1 = arith.constant 0 : i32
    return %c0_i32, %c0_i32_0 : i32, i32
  }
  func.func @transform_13(%arg0: i32) -> (i32, i32) {
    %c0_i32 = arith.constant 0 : i32
    %c0_i32_0 = arith.constant 0 : i32
    %c0_i32_1 = arith.constant 0 : i32
    return %c0_i32, %c0_i32_0 : i32, i32
  }
  func.func @transform_14(%arg0: i32) -> (i32, i32) {
    %c0_i32 = arith.constant 0 : i32
    %c0_i32_0 = arith.constant 0 : i32
    %c0_i32_1 = arith.constant 0 : i32
    return %c0_i32, %c0_i32_0 : i32, i32
  }
  func.func @transform_15(%arg0: i32) -> (i32, i32) {
    %c0_i32 = arith.constant 0 : i32
    %c0_i32_0 = arith.constant 0 : i32
    %c0_i32_1 = arith.constant 0 : i32
    return %c0_i32, %c0_i32_0 : i32, i32
  }
  func.func @transform_16(%arg0: i32) -> (i32, i32) {
    %c0_i32 = arith.constant 0 : i32
    %c0_i32_0 = arith.constant 0 : i32
    %c0_i32_1 = arith.constant 0 : i32
    return %c0_i32, %c0_i32_0 : i32, i32
  }
  func.func @transform_17(%arg0: i32) -> (i32, i32) {
    %c0_i32 = arith.constant 0 : i32
    %c0_i32_0 = arith.constant 0 : i32
    return %arg0, %c0_i32 : i32, i32
  }
  func.func @transform_18(%arg0: i32) -> (i32, i32) {
    %c0_i32 = arith.constant 0 : i32
    %c0_i32_0 = arith.constant 0 : i32
    return %arg0, %c0_i32 : i32, i32
  }
}

module attributes {stable_mosaic.version = 14 : i64} {
  func.func @_tc3_body(%arg0: i32, %arg1: memref<2000x32xf32, #tpu.memory_space<vmem>>, %arg2: memref<2000x32xf32, #tpu.memory_space<vmem>>, %arg3: memref<16x16xf32, #tpu.memory_space<vmem>>, %arg4: memref<16x16xf32, #tpu.memory_space<vmem>>, %arg5: memref<2000x16xf32, #tpu.memory_space<vmem>>, %arg6: memref<2000x48xf32, #tpu.memory_space<vmem>>) attributes {dimension_semantics = [#tpu.dimension_semantics<arbitrary>], iteration_bounds = array<i64: 25>, scalar_prefetch = 0 : i64, scratch_operands = 0 : i64, tpu.core_type = #tpu.core_type<tc>, window_params = [{transform_indices = @transform_0, window_bounds = array<i64: 2000, 32>}, {transform_indices = @transform_1, window_bounds = array<i64: 2000, 32>}, {pipeline_mode = #tpu.pipeline_mode<synchronous>, transform_indices = @transform_2, window_bounds = array<i64: 16, 16>}, {pipeline_mode = #tpu.pipeline_mode<synchronous>, transform_indices = @transform_3, window_bounds = array<i64: 16, 16>}, {transform_indices = @transform_4, window_bounds = array<i64: 2000, 16>}, {transform_indices = @transform_5, window_bounds = array<i64: 2000, 48>}]} {
    %get3A = arith.constant 0 : index
    %get3A_0 = arith.constant 0 : index
    %get3A_1 = vector.load %arg1[%get3A, %get3A_0] : memref<2000x32xf32, #tpu.memory_space<vmem>>, vector<2000x32xf32>
    %get3A_2 = arith.constant 0 : index
    %get3A_3 = arith.constant 0 : index
    %get3A_4 = vector.load %arg2[%get3A_2, %get3A_3] : memref<2000x32xf32, #tpu.memory_space<vmem>>, vector<2000x32xf32>
    %slice3A = vector.extract_strided_slice %get3A_1 {offsets = [0, 0], sizes = [2000, 16], strides = [1, 1]} : vector<2000x32xf32> to vector<2000x16xf32>
    %get3A_5 = arith.constant 0 : index
    %get3A_6 = arith.constant 0 : index
    %get3A_7 = vector.load %arg3[%get3A_5, %get3A_6] : memref<16x16xf32, #tpu.memory_space<vmem>>, vector<16x16xf32>
    %get3A_8 = arith.constant 0 : index
    %get3A_9 = arith.constant 0 : index
    %get3A_10 = vector.load %arg4[%get3A_8, %get3A_9] : memref<16x16xf32, #tpu.memory_space<vmem>>, vector<16x16xf32>
    %slice3A_11 = vector.extract_strided_slice %get3A_1 {offsets = [0, 16], sizes = [2000, 16], strides = [1, 1]} : vector<2000x32xf32> to vector<2000x16xf32>
    %slice3A_12 = vector.extract_strided_slice %get3A_4 {offsets = [0, 0], sizes = [2000, 16], strides = [1, 1]} : vector<2000x32xf32> to vector<2000x16xf32>
    %slice3A_13 = vector.extract_strided_slice %get3A_4 {offsets = [0, 16], sizes = [2000, 16], strides = [1, 1]} : vector<2000x32xf32> to vector<2000x16xf32>
    %broadcast_in_dim3A = arith.constant 0.000000e+00 : f32
    %broadcast_in_dim3A_14 = vector.broadcast %broadcast_in_dim3A : f32 to vector<2000x16xf32>
    %dot_general3A = arith.constant dense<0.000000e+00> : vector<2000x16xf32>
    %dot_general3A_15 = tpu.matmul %slice3A_11, %get3A_7, %dot_general3A {dimension_numbers = #tpu.dot_dimension_numbers<[1], [0], [0], [1], [0, 0, 1, 1], [], []>, transpose_lhs_hint = false} : vector<2000x16xf32>, vector<16x16xf32>, vector<2000x16xf32> -> vector<2000x16xf32>
    %dot_general3A_16 = arith.constant dense<0.000000e+00> : vector<2000x16xf32>
    %dot_general3A_17 = tpu.matmul %slice3A_11, %get3A_10, %dot_general3A_16 {dimension_numbers = #tpu.dot_dimension_numbers<[1], [0], [0], [1], [0, 0, 1, 1], [], []>, transpose_lhs_hint = false} : vector<2000x16xf32>, vector<16x16xf32>, vector<2000x16xf32> -> vector<2000x16xf32>
    %mul3A = arith.mulf %dot_general3A_15, %dot_general3A_17 : vector<2000x16xf32>
    %add3A = arith.addf %broadcast_in_dim3A_14, %mul3A : vector<2000x16xf32>
    %dot_general3A_18 = arith.constant dense<0.000000e+00> : vector<2000x16xf32>
    %dot_general3A_19 = tpu.matmul %slice3A_12, %get3A_7, %dot_general3A_18 {dimension_numbers = #tpu.dot_dimension_numbers<[1], [0], [0], [1], [0, 0, 1, 1], [], []>, transpose_lhs_hint = false} : vector<2000x16xf32>, vector<16x16xf32>, vector<2000x16xf32> -> vector<2000x16xf32>
    %dot_general3A_20 = arith.constant dense<0.000000e+00> : vector<2000x16xf32>
    %dot_general3A_21 = tpu.matmul %slice3A_12, %get3A_10, %dot_general3A_20 {dimension_numbers = #tpu.dot_dimension_numbers<[1], [0], [0], [1], [0, 0, 1, 1], [], []>, transpose_lhs_hint = false} : vector<2000x16xf32>, vector<16x16xf32>, vector<2000x16xf32> -> vector<2000x16xf32>
    %mul3A_22 = arith.mulf %dot_general3A_19, %dot_general3A_21 : vector<2000x16xf32>
    %add3A_23 = arith.addf %add3A, %mul3A_22 : vector<2000x16xf32>
    %dot_general3A_24 = arith.constant dense<0.000000e+00> : vector<2000x16xf32>
    %dot_general3A_25 = tpu.matmul %slice3A_13, %get3A_7, %dot_general3A_24 {dimension_numbers = #tpu.dot_dimension_numbers<[1], [0], [0], [1], [0, 0, 1, 1], [], []>, transpose_lhs_hint = false} : vector<2000x16xf32>, vector<16x16xf32>, vector<2000x16xf32> -> vector<2000x16xf32>
    %dot_general3A_26 = arith.constant dense<0.000000e+00> : vector<2000x16xf32>
    %dot_general3A_27 = tpu.matmul %slice3A_13, %get3A_10, %dot_general3A_26 {dimension_numbers = #tpu.dot_dimension_numbers<[1], [0], [0], [1], [0, 0, 1, 1], [], []>, transpose_lhs_hint = false} : vector<2000x16xf32>, vector<16x16xf32>, vector<2000x16xf32> -> vector<2000x16xf32>
    %mul3A_28 = arith.mulf %dot_general3A_25, %dot_general3A_27 : vector<2000x16xf32>
    %add3A_29 = arith.addf %add3A_23, %mul3A_28 : vector<2000x16xf32>
    %add3A_30 = arith.addf %add3A_29, %slice3A : vector<2000x16xf32>
    %swap3A = arith.constant 0 : index
    %swap3A_31 = arith.constant 0 : index
    %swap3A_32 = vector.load %arg5[%swap3A, %swap3A_31] : memref<2000x16xf32, #tpu.memory_space<vmem>>, vector<2000x16xf32>
    tpu.vector_store %arg5[%swap3A, %swap3A_31], %add3A_30 {strides = array<i32>} : memref<2000x16xf32, #tpu.memory_space<vmem>>, vector<2000x16xf32>,
    %mul3A_33 = arith.mulf %slice3A_11, %add3A_30 : vector<2000x16xf32>
    %mul3A_34 = arith.mulf %slice3A_12, %add3A_30 : vector<2000x16xf32>
    %mul3A_35 = arith.mulf %slice3A_13, %add3A_30 : vector<2000x16xf32>
    %concatenate3A = tpu.concatenate %mul3A_33, %mul3A_34, %mul3A_35 in 1 : vector<2000x16xf32>, vector<2000x16xf32>, vector<2000x16xf32> -> vector<2000x48xf32>
    %swap3A_36 = arith.constant 0 : index
    %swap3A_37 = arith.constant 0 : index
    %swap3A_38 = vector.load %arg6[%swap3A_36, %swap3A_37] : memref<2000x48xf32, #tpu.memory_space<vmem>>, vector<2000x48xf32>
    tpu.vector_store %arg6[%swap3A_36, %swap3A_37], %concatenate3A {strides = array<i32>} : memref<2000x48xf32, #tpu.memory_space<vmem>>, vector<2000x48xf32>,
    return
  }
  func.func @transform_0(%arg0: i32) -> (i32, i32) {
    %c0_i32 = arith.constant 0 : i32
    %c0_i32_0 = arith.constant 0 : i32
    return %arg0, %c0_i32 : i32, i32
  }
  func.func @transform_1(%arg0: i32) -> (i32, i32) {
    %c0_i32 = arith.constant 0 : i32
    %c0_i32_0 = arith.constant 0 : i32
    return %arg0, %c0_i32 : i32, i32
  }
  func.func @transform_2(%arg0: i32) -> (i32, i32) {
    %c0_i32 = arith.constant 0 : i32
    %c0_i32_0 = arith.constant 0 : i32
    %c0_i32_1 = arith.constant 0 : i32
    return %c0_i32, %c0_i32_0 : i32, i32
  }
  func.func @transform_3(%arg0: i32) -> (i32, i32) {
    %c0_i32 = arith.constant 0 : i32
    %c0_i32_0 = arith.constant 0 : i32
    %c0_i32_1 = arith.constant 0 : i32
    return %c0_i32, %c0_i32_0 : i32, i32
  }
  func.func @transform_4(%arg0: i32) -> (i32, i32) {
    %c0_i32 = arith.constant 0 : i32
    %c0_i32_0 = arith.constant 0 : i32
    return %arg0, %c0_i32 : i32, i32
  }
  func.func @transform_5(%arg0: i32) -> (i32, i32) {
    %c0_i32 = arith.constant 0 : i32
    %c0_i32_0 = arith.constant 0 : i32
    return %arg0, %c0_i32 : i32, i32
  }
}

</mosaic_0001>

<sc_bundles>
// kernel: kernel.10.cloned.1.call-start
scs
__scs_entry_jumppad:
0x0: {  	(pc) =	sbr.rel $0x88, $3  }
0x1: {  	(tag) =	ssettag $0x0;
	lr =	simm.s32 $0x1  }
0x2: {  	[smem:$0x3F8C] =	sst lr;
	_ =	strace $0xD0000000  }
0x3: {  	_ = 	snop  }
0x4: {  	_ = 	snop  }
0x5: {  	_ = 	snop  }
0x6: {  	_ = 	snop  }
0x7: {  	_ = 	snop  }
__scs_overlays_trampoline_lowered:
0x8: {  	[smem:$0x3F9B] =	sst s0  }
0x9: {  	[smem:$0x3F9C] =	sst s1  }
0xa: {  	[smem:$0x3F9D] =	sst s2  }
0xb: {  	[smem:$0x3F9E] =	sst s3  }
0xc: {  	[smem:$0x3F9F] =	sst s4  }
0xd: {  	[smem:$0x3FA0] =	sst s5  }
0xe: {  	[smem:$0x3FA1] =	sst s6  }
0xf: {  	[smem:$0x3FA2] =	sst s7  }
0x10: {  	[smem:$0x3FA3] =	sst s8  }
0x11: {  	[smem:$0x3FA4] =	sst s9;
	s0 =	simm.s32 @!p0 $0x0  }
0x12: {  	s1 =	sld [smem:$0x3F8A];
	s0 =	simm.s32 @p0 $0x1  }
0x13: {  	[smem:$0x3FA5] =	sst s0;
	s0 =	simm.s32 @!p1 $0x0  }
0x14: {  	s2 =	sld [smem:$0x3F89];
	s0 =	simm.s32 @p1 $0x1  }
0x15: {  	[smem:$0x3FA6] =	sst s0;
	s0 =	simm.s32 @!p2 $0x0  }
0x16: {  	s3 =	sld [smem:$0x3FDB];
	s0 =	simm.s32 @p2 $0x1  }
0x17: {  	s4 =	simm.s32 $0x1BF5;
	[smem:$0x3FA8] =	sst s0  }
0x18: {  	s0 =	sld [smem:$0x3F8B];
	_ =	swait.ge [sflag:s4], $0x0  }
0x19: {  	s7 =	sld [smem:$0x3F8C]  }
0x1a: {  	s8 =	sadd.s32 $0xFFFFE003, lr  }
0x1b: {  	s9 =	sadd.s32 $0xFFFFFEF7, lr;
	s5 =	simm.s32 $0xFFFFFFFF;
	p2 =	slt.u32 s8, $0xFFFFF086  }
0x1c: {  	p1 =	slt.u32 s9, $0xF7A;
	s5 =	simm.s32 @!p2 $0x0  }
0x1d: {  	s5 =	simm.s32 @p1 $0x1;
	p0 =	seq.s32 s7, s2  }
0x1e: {  	s7 =	smul.u32 @!p0 $0xF7A, s2;
	p2 =	seq.s32 @!p0 s5, $0x0  }
0x1f: {  	s9 =	smul.u32 $0xF7A, s1;
	s8 =	simm.s32 @!p0 $0x1BF5;
	p2 =	por !p2, p0  }
0x20: {  	[sflag:s8] =	ssyncset.s32 @!p0 $0xFFFFF086;
	s6 =	sadd.s32 @!p0 s3, s7;
	s7 =	simm.s32 @!p0 $0x108  }
0x21: {  	s3 =	sadd.s32 s3, s9;
	s6 =	sadd.s32 @!p0 $0x88, s6;
	s7 =	simm.s32 @p2 $0x1082  }
0x22: {  	[simem:s7], [sflag:s8] =	dma.local @!p0 [hbm:s6], $0xF7A  }
0x23: {  	s9 =	sor.u32 $0xD0000000, s2;
	s6 =	simm.s32 $0x108;
	_ =	swait.ge @!p0 [sflag:s8], $0x0  }
0x24: {  	s3 =	sadd.s32 $0x88, s3;
	s6 =	simm.s32 @!p1 $0x1082;
	[sflag:s4] =	ssyncset.s32 $0xFFFFF086  }
0x25: {  	[simem:s6], [sflag:s4] =	dma.local [hbm:s3], $0xF7A  }
0x26: {  	[smem:$0x3F8C] =	sst s1;
	(tag) =	ssettag s2;
	_ =	strace s9  }
0x27: {  	s1 =	sld [smem:$0x3F9C]  }
0x28: {  	s2 =	sld [smem:$0x3F9D]  }
0x29: {  	s4 =	sld [smem:$0x3F9F]  }
0x2a: {  	p0 =	seq.s32 s5, $0x0;
	s5 =	sld [smem:$0x3FA0]  }
0x2b: {  	s6 =	sld [smem:$0x3FA1]  }
0x2c: {  	s7 =	sld [smem:$0x3FA2]  }
0x2d: {  	s3 =	simm.s32 $0x108;
	s8 =	sld [smem:$0x3FA3]  }
0x2e: {  	s3 =	simm.s32 @!p0 $0x1082;
	s9 =	sld [smem:$0x3FA4]  }
0x2f: {  	lr =	sadd.s32 s0, s3;
	s0 =	sld [smem:$0x3F9B]  }
0x30: {  	s3 =	sld [smem:$0x3F9E]  }
0x31: {  	[smem:$0x3FA7] =	sst s10  }
0x32: {  	s10 =	sld [smem:$0x3FA5];
	_ =	sdelay $0x3  }
0x33: {  	p0 =	seq.s32 s10, $0x1;
	s10 =	sld [smem:$0x3FA7];
	_ =	sdelay $0x3  }
0x34: {  	[smem:$0x3FA7] =	sst s10  }
0x35: {  	s10 =	sld [smem:$0x3FA6];
	_ =	sdelay $0x3  }
0x36: {  	p1 =	seq.s32 s10, $0x1;
	s10 =	sld [smem:$0x3FA7];
	_ =	sdelay $0x3  }
0x37: {  	[smem:$0x3FA7] =	sst s10  }
0x38: {  	s10 =	sld [smem:$0x3FA8]  }
0x39: {  	_ = 	snop;
	(pc) =	sbr.ind lr, $3  }
0x3a: {  	_ = 	snop  }
0x3b: {  	_ = 	snop  }
0x3c: {  	p2 =	seq.s32 s10, $0x1;
	s10 =	sld [smem:$0x3FA7]  }
0x3d: {  	_ =	shalt  }
0x3e: {  	_ =	shalt  }
0x3f: {  	_ =	shalt  }
0x40: {  	_ =	shalt  }
0x41: {  	_ =	shalt  }
0x42: {  	_ =	shalt  }
0x43: {  	_ =	shalt  }
0x44: {  	_ =	shalt  }
0x45: {  	_ =	shalt  }
0x46: {  	_ =	shalt  }
0x47: {  	_ =	shalt  }
0x48: {  	_ =	shalt  }
0x49: {  	_ =	shalt  }
0x4a: {  	_ =	shalt  }
0x4b: {  	_ =	shalt  }
0x4c: {  	_ =	shalt  }
0x4d: {  	_ =	shalt  }
0x4e: {  	_ =	shalt  }
0x4f: {  	_ =	shalt  }
0x50: {  	_ =	shalt  }
0x51: {  	_ =	shalt  }
0x52: {  	_ =	shalt  }
0x53: {  	_ =	shalt  }
0x54: {  	_ =	shalt  }
0x55: {  	_ =	shalt  }
0x56: {  	_ =	shalt  }
0x57: {  	_ =	shalt  }
0x58: {  	_ =	shalt  }
0x59: {  	_ =	shalt  }
0x5a: {  	_ =	shalt  }
0x5b: {  	_ =	shalt  }
0x5c: {  	_ =	shalt  }
0x5d: {  	_ =	shalt  }
0x5e: {  	_ =	shalt  }
0x5f: {  	_ =	shalt  }
0x60: {  	_ =	shalt  }
0x61: {  	_ =	shalt  }
0x62: {  	_ =	shalt  }
0x63: {  	_ =	shalt  }
0x64: {  	_ =	shalt  }
0x65: {  	_ =	shalt  }
0x66: {  	_ =	shalt  }
0x67: {  	_ =	shalt  }
0x68: {  	_ =	shalt  }
0x69: {  	_ =	shalt  }
0x6a: {  	_ =	shalt  }
0x6b: {  	_ =	shalt  }
0x6c: {  	_ =	shalt  }
0x6d: {  	_ =	shalt  }
0x6e: {  	_ =	shalt  }
0x6f: {  	_ =	shalt  }
0x70: {  	_ =	shalt  }
0x71: {  	_ =	shalt  }
0x72: {  	_ =	shalt  }
0x73: {  	_ =	shalt  }
0x74: {  	_ =	shalt  }
0x75: {  	_ =	shalt  }
0x76: {  	_ =	shalt  }
0x77: {  	_ =	shalt  }
0x78: {  	_ =	shalt  }
0x79: {  	_ =	shalt  }
0x7a: {  	_ =	shalt  }
0x7b: {  	_ =	shalt  }
0x7c: {  	_ =	shalt  }
0x7d: {  	_ =	shalt  }
0x7e: {  	_ =	shalt  }
0x7f: {  	_ =	shalt  }
0x80: {  	_ =	shalt  }
0x81: {  	_ =	shalt  }
0x82: {  	_ =	shalt  }
0x83: {  	_ =	shalt  }
0x84: {  	_ =	shalt  }
0x85: {  	_ =	shalt  }
0x86: {  	_ =	shalt  }
0x87: {  	_ =	shalt  }
.Lfunc_end0:
.L_simem_size_0:
called_computation.1_lowered:
.L_overlay_start_0:
0x88: {  	s2 =	sld [smem:$0x3FD9]  }
0x89: {  	s3 =	sld [smem:$0x3FFE];
	_ =	sdelay $0x1  }
0x8a: {  	s1 =	srdreg.scid  }
0x8b: {  	s0 =	sand.u32 $0x1, s1  }
0x8c: {  	s14 =	sshll.u32 s0, $0xA;
	s2 =	sadd.s32 s3, s2  }
0x8d: {  	s2 =	sadd.s32 s2, s14  }
0x8e: {  	[smem:$0x3FB3] =	sst s2  }
0x8f: {  	_ = 	snop  }
0x90: {  	s2 =	sld [smem:$0x3FD0];
	_ =	sdelay $0x2  }
0x91: {  	s15 =	simm.s32 $0xA;
	s4 =	simm.s32 $0x10  }
0x92: {  	[smem:s4], [sflag:s15] =	dma.local [hbm:s2], $0x1  }
0x93: {  	_ =	swait.eq [sflag:s15], $0x1  }
0x94: {  	[sflag:s15] =	ssyncset.done $0x0  }
0x95: {  	[sflag:s15] =	ssyncadd.s32 $0xFFFFFFFF  }
0x96: {  	s16 =	sld [smem:$0x11];
	(tm) =	ssettm $0x1  }
0x97: {  	s17 =	sld [smem:$0x3FFB];
	_ =	sdelay $0x3  }
0x98: {  	_ =	strace s17  }
0x99: {  	s3 =	sld [smem:$0x3FFC];
	_ =	sdelay $0x3  }
0x9a: {  	_ =	strace s3  }
0x9b: {  	s3 =	sld [smem:$0x3FFD];
	_ =	sdelay $0x3  }
0x9c: {  	_ =	strace s3  }
0x9d: {  	_ =	strace $0x8FFFFFFF  }
0x9e: {  	s18 =	sld [smem:$0x3FDB];
	_ =	sdelay $0x1  }
0x9f: {  	s19 =	simm.s32 $_scs_section_size  }
0xa0: {  	s5 =	simm.s32 $_size__tile_overlayer_lowered;
	s6 =	simm.s32 $_tile_overlayer_lowered  }
0xa1: {  	s22 =	simm.s32 $0x1BFF;
	s21 =	sshll.u32 s6, $0x1;
	s3 =	sadd.s32 s19, s18  }
0xa2: {  	s7 =	simm.s32 $0x0;
	s20 =	sshll.u32 s5, $0x1;
	s5 =	sadd.s32 s21, s3  }
0xa3: {  	[timem:s7], [sflag:s22] =	dma.local [hbm:s5], s20  }
0xa4: {  	_ =	swait.ge [sflag:s22], s20  }
0xa5: {  	s4 =	ssub.s32 $0x0, s20;
	[sflag:s22] =	ssyncset.done $0x0  }
0xa6: {  	[sflag:s22] =	ssyncadd.s32 s4;
	_ =	sdelay $0x1  }
0xa7: {  	s23 =	simm.s32 $0x1B8B  }
0xa8: {  	_ =	swait.ge [sflag:s23], $0x1  }
0xa9: {  	[sflag:s23] =	ssyncset.done $0x0  }
0xaa: {  	s25 =	simm.s32 $0x1B8E;
	s24 =	sld [smem:$0x3FFE];
	[sflag:s23] =	ssyncadd.s32 $0xFFFFFFFF  }
0xab: {  	s26 =	simm.s32 $execute0_lowered;
	[smem:$0x3FD2] =	sst s25  }
0xac: {  	s5 =	sshll.u32 s26, $0x1;
	_ =	strace $0x80000049;
	[dreg:$0x1] =	wrdreg $0xFFFFFFFF  }
0xad: {  	s28 =	simm.s32 $_size_execute0_lowered;
	s3 =	sadd.s32 s3, s5;
	[dreg:$0x0] =	wrdreg $0x0  }
0xae: {  	s5 =	sshll.u32 s28, $0x1;
	[dreg:$0x2] =	wrdreg s3  }
0xaf: {  	[dreg:$0x3] =	wrdreg s5  }
0xb0: {  	[dreg:$0x4] =	wrdreg $0xC0  }
0xb1: {  	_ =	task [dreg:s7], $0x5FFFF  }
0xb2: {  	[dreg:$0x1] =	wrdreg $0xFFFFFFFF  }
0xb3: {  	[dreg:$0x0] =	wrdreg $0x60  }
0xb4: {  	[dreg:$0x2] =	wrdreg s24  }
0xb5: {  	[dreg:$0x3] =	wrdreg s16  }
0xb6: {  	[dreg:$0x4] =	wrdreg $0x65900  }
0xb7: {  	[dreg:$0x5] =	wrdreg $0x9  }
0xb8: {  	_ =	task.clear_ibuf [dreg:s7], $0x6FFFF;
	_ =	strace $0x90000049  }
0xb9: {  	s29 =	simm.s32 $0x9;
	_ =	strace $0x8000004B  }
0xba: {  	_ =	swait.ge [sflag:s29], $0x1  }
0xbb: {  	[sflag:s29] =	ssyncadd.s32 $0xFFFFFFFF  }
0xbc: {  	_ =	strace $0x9000004B  }
0xbd: {  	_ =	sfence  }
0xbe: {  	s30 =	sld [smem:$0x0];
	_ =	sdelay $0x2  }
0xbf: {  	s31 =	sshll.u32 s1, $0xD;
	s1 =	sshrl.u32 s1, $0x2  }
0xc0: {  	s3 =	sand.u32 $0x4000, s31;
	s1 =	sadd.s32 s1, s30  }
0xc1: {  	s0 =	sor.u32 s3, s0;
	s1 =	sshll.u32 s1, $0x11  }
0xc2: {  	s0 =	sor.u32 s1, s0  }
0xc3: {  	s0 =	sadd.s32 $0x8F2B, s0  }
0xc4: {  	[sflag:s0] =	ssyncadd.remote.s32 $0x1  }
0xc5: {  	_ =	sfence.sel $0xFFFF  }
0xc6: {  	[dreg:$0x0] =	wrdreg $0xFFFFFFFF;
	(pc) =	sbr.abs _section_cstart, $3  }
0xc7: {  	[dreg:$0x1] =	wrdreg $0xFFFFFFFF  }
0xc8: {  	_ =	task.clear_ibuf [dreg:s7], $0x2FFFF;
	_ =	strace $0x9FFFFFFF  }
0xc9: {  	(tm) =	ssettm $0x7FFFFFFF  }
tec
execute0_lowered:
.L_overlay_start_1:
0x0: {  	(tag) =	ssettag $0x1  }
0x1: {  	s21 =	stileid.u32  }
0x2: {  	s0 =	smul.u32 $0x61A80, s21  }
0x3: {  	s25 =	smul.u32 $0x30D4, s21  }
0x4: {  	s7 =	smul.u32 $0xC800, s21;
	s13 =	sor.u32 $0x10, s21;
	s26 =	sor.u32 $0x20, s21  }
0x5: {  	s16 =	sor.u32 $0x30, s21;
	s17 =	sor.u32 $0x40, s21;
	s18 =	sor.u32 $0x50, s21  }
0x6: {  	s19 =	sor.u32 $0x60, s21;
	s22 =	sor.u32 $0x70, s21;
	s21 =	smul.u32 $0x3200, s21  }
0x7: {  	s8 =	smul.u32 $0xC800, s13  }
0x8: {  	s2 =	rddreg [dreg:$0x0];
	s9 =	smul.u32 $0xC800, s26  }
0x9: {  	s30 =	rddreg [dreg:$0x1];
	s10 =	smul.u32 $0xC800, s16  }
0xa: {  	s3 =	rddreg [dreg:$0x2];
	s11 =	smul.u32 $0xC800, s17  }
0xb: {  	s4 =	simm.s32 $0x0;
	s1 =	srdreg.scid;
	s12 =	smul.u32 $0xC800, s18  }
0xc: {  	[smem:$0x7FF] =	sst s4;
	s15 =	sand.u32 $0x1, s1;
	s14 =	smul.u32 $0xC800, s19  }
0xd: {  	_ =	strace $0x8000004A;
	s5 =	ssub.s32 $0x2, s15;
	s20 =	smul.u32 $0xC800, s22  }
0xe: {  	s23 =	smul.u32 $0x3200, s13;
	p0 =	sne.s32 s15, $0x0;
	p1 =	sgt.u32 s22, $0x7C  }
0xf: {  	p2 =	slt.u32 s22, $0x7D;
	s22 =	smul.u32 $0x3200, s22;
	s0 =	sadd.s32 s0, s2  }
0x10: {  	s6 =	sshrl.u32 s5, $0x1;
	s1 =	sadd.s32 s25, s2;
	s7 =	sshrl.u32 s7, $0x2  }
0x11: {  	s15 =	sadd.s32 s21, s3;
	s24 =	sshrl.u32 s21, $0x3;
	s21 =	smul.u32 $0x3200, s17  }
0x12: {  	s25 =	smul.u32 $0x3200, s18;
	s6 =	ssub.s32 s5, s6;
	s5 =	sadd.s32 $0x652A00, s2  }
0x13: {  	s8 =	sshrl.u32 s8, $0x2;
	s7 =	sadd.s32 s7, s3;
	s9 =	sshrl.u32 s9, $0x2  }
0x14: {  	s10 =	sshrl.u32 s10, $0x2;
	s11 =	sshrl.u32 s11, $0x2;
	s12 =	sshrl.u32 s12, $0x2  }
0x15: {  	s14 =	sshrl.u32 s14, $0x2;
	s20 =	sshrl.u32 s20, $0x2;
	s2 =	smul.u32 $0x3200, s26  }
0x16: {  	s26 =	smul.u32 $0x3200, s19;
	[dreg:$0x5] =	wrdreg s22;
	s6 =	smax.u32 s6, $0x1  }
0x17: {  	s8 =	sadd.s32 s8, s3;
	s9 =	sadd.s32 s9, s3;
	s10 =	sadd.s32 s10, s3  }
0x18: {  	s11 =	sadd.s32 s11, s3;
	s12 =	sadd.s32 s12, s3;
	s13 =	sadd.s32 s14, s3  }
0x19: {  	s14 =	sadd.s32 s20, s3;
	s20 =	smul.u32 $0x3200, s16;
	s16 =	sadd.s32 s23, s3  }
0x1a: {  	s23 =	sshrl.u32 s23, $0x3;
	s19 =	sadd.s32 s21, s3;
	s29 =	sshrl.u32 s21, $0x3  }
0x1b: {  	s31 =	sadd.s32 s5, s24;
	s24 =	sadd.s32 s30, s24;
	[dreg:$0x4] =	wrdreg s5  }
0x1c: {  	s17 =	sadd.s32 s2, s3;
	s2 =	sshrl.u32 s2, $0x3;
	[dreg:$0x6] =	wrdreg s31  }
0x1d: {  	s21 =	sadd.s32 s26, s3;
	[dreg:$0x7] =	wrdreg s24;
	s24 =	sadd.s32 s5, s23  }
0x1e: {  	s26 =	sshrl.u32 s26, $0x3;
	s23 =	sadd.s32 s30, s23;
	[dreg:$0x8] =	wrdreg s24  }
0x1f: {  	s31 =	simm.s32 $0x190;
	[dreg:$0x9] =	wrdreg s23;
	s24 =	sadd.s32 s5, s2  }
0x20: {  	s28 =	sshrl.u32 s20, $0x3;
	s2 =	sadd.s32 s30, s2;
	[dreg:$0xa] =	wrdreg s24  }
0x21: {  	s18 =	sadd.s32 s20, s3;
	[dreg:$0xb] =	wrdreg s2;
	s23 =	sadd.s32 s5, s28  }
0x22: {  	s20 =	sadd.s32 s25, s3;
	s24 =	sadd.s32 s30, s28;
	[dreg:$0xc] =	wrdreg s23  }
0x23: {  	s25 =	sshrl.u32 s25, $0x3;
	[dreg:$0xd] =	wrdreg s24;
	s23 =	sadd.s32 s5, s29  }
0x24: {  	s28 =	sadd.s32 $0x38200, s0;
	s24 =	sadd.s32 s30, s29;
	[dreg:$0xe] =	wrdreg s23  }
0x25: {  	s2 =	simm.s32 $0x3390;
	[dreg:$0xf] =	wrdreg s24;
	s23 =	sadd.s32 s5, s25  }
.Ltmp0:
0x26: {  	s24 =	sadd.s32 s30, s25;
	[dreg:$0x10] =	wrdreg s23;
	(pc) =	sbr.rel .LBB2_1-.Ltmp0, $4  }
0x27: {  	s29 =	sadd.s32 $0x18A2200, s0;
	s25 =	sadd.s32 s5, s26;
	[dreg:$0x11] =	wrdreg s24  }
0x28: {  	s0 =	simm.s32 $0x1;
	s26 =	sadd.s32 s30, s26;
	[dreg:$0x12] =	wrdreg s25  }
0x29: {  	s30 =	sshrl.u32 s22, $0x3;
	[dreg:$0x13] =	wrdreg s26;
	s26 =	sadd.s32 $0x7400, s1  }
0x2a: {  	v0 =	vimm.f32 $0.0e+00;
	[dreg:$0x14] =	wrdreg s30;
	s1 =	simm.s32 $0x2;
	s23 =	simm.s32 $0x0  }
.LBB2_10:
0x2b: {  	s5 =	rddreg [dreg:$0x5]  }
0x2c: {  	s5 =	sadd.s32 s5, s3  }
0x2d: {  	[tilespmem:s31], [sflag:$0x2] =	stream.linear.gather [spmem:s5], $0x3200, $0x38;
	[tilespmem:$0x1EC30] =	vst v63  }
0x2e: {  	_ =	swait.ge [sflag:s1], $0x3200  }
0x2f: {  	[sflag:s1] =	ssyncset.done $0x0;
	s30 =	rddreg [dreg:$0x14]  }
0x30: {  	s5 =	sadd.s32 s24, s30;
	[sflag:s1] =	ssyncadd.s32 $0xFFFFCE00  }
0x31: {  	[hbm4b:s5+s4] =	stream.linear.scatter [tilespmem:s31], [sflag:$0x1], $0x3200, $0x38;
	[tilespmem:$0x1EC30] =	vst v63  }
0x32: {  	_ =	swait.ge [sflag:s0], $0x3200  }
0x33: {  	[sflag:s0] =	ssyncset.done $0x0  }
0x34: {  	[sflag:s0] =	ssyncadd.s32 $0xFFFFCE00  }
.LBB2_11:
0x35: {  	s23 =	sadd.s32 $0x1, s23  }
0x36: {  	p3 =	sne.s32 s23, s6  }
.Ltmp1:
0x37: {  	_ = 	snop;
	(pc) =	sbr.rel @!p3 .LBB2_12-.Ltmp1, $1  }
0x38: {  	_ =	sdelay $0x3  }
.LBB2_1:
0x39: {  	s24 =	simm.s32 $0x80;
	s25 =	simm.s32 $0x0  }
.LBB2_2:
0x3a: {  	p3 =	sne.s32 s24, $0xC780;
	[tilespmem:s25+$0x190] =	vst v0;
	s30 =	smov.u32 s24;
	s24 =	sadd.s32 $0x80, s24  }
.Ltmp2:
0x3b: {  	[tilespmem:s25+$0x1A0] =	vst v0;
	(pc) =	sbr.rel @p3 .LBB2_2-.Ltmp2, $2  }
0x3c: {  	_ =	sdelay $0x2  }
0x3d: {  	s25 =	sshra.s32 s30, $0x2  }
0x3e: {  	[tilespmem:s25+$0x190] =	vst v0  }
0x3f: {  	[tilespmem:s25+$0x1A0] =	vst v0  }
0x40: {  	[spmem:s7] =	stream.linear.scatter [tilespmem:s31], [sflag:$0x1], $0x3200, $0x38;
	[tilespmem:$0x1EC30] =	vst v63  }
0x41: {  	_ =	swait.ge [sflag:s0], $0x3200  }
0x42: {  	[sflag:s0] =	ssyncset.done $0x0  }
0x43: {  	[sflag:s0] =	ssyncadd.s32 $0xFFFFCE00  }
0x44: {  	[spmem:s8] =	stream.linear.scatter [tilespmem:s31], [sflag:$0x1], $0x3200, $0x38;
	[tilespmem:$0x1EC30] =	vst v63  }
0x45: {  	_ =	swait.ge [sflag:s0], $0x3200  }
0x46: {  	[sflag:s0] =	ssyncset.done $0x0  }
0x47: {  	[sflag:s0] =	ssyncadd.s32 $0xFFFFCE00  }
0x48: {  	[spmem:s9] =	stream.linear.scatter [tilespmem:s31], [sflag:$0x1], $0x3200, $0x38;
	[tilespmem:$0x1EC30] =	vst v63  }
0x49: {  	_ =	swait.ge [sflag:s0], $0x3200  }
0x4a: {  	[sflag:s0] =	ssyncset.done $0x0  }
0x4b: {  	[sflag:s0] =	ssyncadd.s32 $0xFFFFCE00  }
0x4c: {  	[spmem:s10] =	stream.linear.scatter [tilespmem:s31], [sflag:$0x1], $0x3200, $0x38;
	[tilespmem:$0x1EC30] =	vst v63  }
0x4d: {  	_ =	swait.ge [sflag:s0], $0x3200  }
0x4e: {  	[sflag:s0] =	ssyncset.done $0x0  }
0x4f: {  	[sflag:s0] =	ssyncadd.s32 $0xFFFFCE00  }
0x50: {  	[spmem:s11] =	stream.linear.scatter [tilespmem:s31], [sflag:$0x1], $0x3200, $0x38;
	[tilespmem:$0x1EC30] =	vst v63  }
0x51: {  	_ =	swait.ge [sflag:s0], $0x3200  }
0x52: {  	[sflag:s0] =	ssyncset.done $0x0  }
0x53: {  	[sflag:s0] =	ssyncadd.s32 $0xFFFFCE00  }
0x54: {  	[spmem:s12] =	stream.linear.scatter [tilespmem:s31], [sflag:$0x1], $0x3200, $0x38;
	[tilespmem:$0x1EC30] =	vst v63  }
0x55: {  	_ =	swait.ge [sflag:s0], $0x3200  }
0x56: {  	[sflag:s0] =	ssyncset.done $0x0  }
0x57: {  	[sflag:s0] =	ssyncadd.s32 $0xFFFFCE00  }
0x58: {  	[spmem:s13] =	stream.linear.scatter [tilespmem:s31], [sflag:$0x1], $0x3200, $0x38;
	[tilespmem:$0x1EC30] =	vst v63  }
0x59: {  	_ =	swait.ge [sflag:s0], $0x3200  }
0x5a: {  	[sflag:s0] =	ssyncset.done $0x0  }
0x5b: {  	s24 =	simm.s32 @!p1 $0x190;
	[sflag:s0] =	ssyncadd.s32 $0xFFFFCE00  }
0x5c: {  	[spmem:s14] =	stream.linear.scatter @!p1 [tilespmem:s24], [sflag:$0x1], $0x3200, $0x38;
	[tilespmem:$0x1EC30] =	vst v63  }
0x5d: {  	s24 =	simm.s32 @!p1 $0x1  }
.Ltmp3:
0x5e: {  	_ =	swait.ge @!p1 [sflag:s24], $0x3200;
	(pc) =	sbr.rel @p0 .LBB2_7-.Ltmp3, $3  }
0x5f: {  	[sflag:s24] =	ssyncset.done @!p1 $0x0  }
0x60: {  	[sflag:s24] =	ssyncadd.s32 @!p1 $0xFFFFCE00  }
0x61: {  	[bflag:$0x0] =	sbarrier.arrive $0xFFFF;
	_ =	sdelay $0x1  }
0x62: {  	s24 =	sadd.s32 $0x0, s26  }
0x63: {  	[tilespmem:s4], [sflag:$0x1] =	stream.linear.gather [hbm4b:s24+s4], $0x190, $0x38;
	[tilespmem:$0x1EC30] =	vst v63  }
0x64: {  	_ =	swait.ge [sflag:s0], $0x190  }
0x65: {  	[sflag:s0] =	ssyncset.done $0x0  }
0x66: {  	[sflag:s0] =	ssyncadd.s32 $0xFFFFFE70  }
0x67: {  	[tilespmem:s2], [sflag:$0x1] =	stream.linear.gather [hbm4b:s29+s4], $0x3200, $0x38;
	[tilespmem:$0x1EC30] =	vst v63  }
0x68: {  	_ =	swait.ge [sflag:s0], $0x3200  }
0x69: {  	[sflag:s0] =	ssyncset.done $0x0  }
0x6a: {  	[sflag:s0] =	ssyncadd.s32 $0xFFFFCE00  }
0x6b: {  	[spmem:s3] =	stream.indirect.scatter.add.f32 [tilespmem:s2], [sflag:$0x1], $0x20, s4, s31, $0xb8;
	[tilespmem:$0x1EC30] =	vst v63  }
0x6c: {  	s25 =	simm.s32 $0x32;
	_ =	swait.ge [sflag:s0], $0x3200  }
0x6d: {  	s30 =	simm.s32 $0x64;
	s24 =	sadd.s32 $0x640, s29;
	[sflag:s0] =	ssyncset.done $0x0  }
.LBB2_5:
0x6e: {  	s22 =	sadd.s32 s25, s26  }
0x6f: {  	[sflag:s0] =	ssyncadd.s32 $0xFFFFCE00;
	s25 =	smov.u32 s30;
	s5 =	sadd.s32 $0x32, s30  }
0x70: {  	[tilespmem:s4], [sflag:$0x1] =	stream.linear.gather [hbm4b:s22+s4], $0x190, $0x38;
	[tilespmem:$0x1EC30] =	vst v63  }
0x71: {  	p3 =	seq.s32 s30, $0x30A2;
	_ =	swait.ge [sflag:s0], $0x190  }
0x72: {  	[sflag:s0] =	ssyncset.done $0x0  }
0x73: {  	[sflag:s0] =	ssyncadd.s32 $0xFFFFFE70  }
0x74: {  	[tilespmem:s2], [sflag:$0x1] =	stream.linear.gather [hbm4b:s24+s4], $0x3200, $0x38;
	[tilespmem:$0x1EC30] =	vst v63  }
0x75: {  	_ =	swait.ge [sflag:s0], $0x3200  }
.Ltmp4:
0x76: {  	[sflag:s0] =	ssyncset.done $0x0;
	(pc) =	sbr.rel @!p3 .LBB2_5-.Ltmp4, $4  }
0x77: {  	[sflag:s0] =	ssyncadd.s32 $0xFFFFCE00  }
0x78: {  	[spmem:s3] =	stream.indirect.scatter.add.f32 [tilespmem:s2], [sflag:$0x1], $0x20, s4, s31, $0xb8;
	[tilespmem:$0x1EC30] =	vst v63  }
0x79: {  	_ =	swait.ge [sflag:s0], $0x3200  }
0x7a: {  	s30 =	smov.u32 s5;
	s24 =	sadd.s32 $0x640, s24;
	[sflag:s0] =	ssyncset.done $0x0  }
0x7b: {  	s5 =	sadd.s32 s25, s26;
	[sflag:s0] =	ssyncadd.s32 $0xFFFFCE00  }
0x7c: {  	[tilespmem:s4], [sflag:$0x1] =	stream.linear.gather [hbm4b:s5+s4], $0x190, $0x38;
	[tilespmem:$0x1EC30] =	vst v63  }
0x7d: {  	_ =	swait.ge [sflag:s0], $0x190  }
0x7e: {  	[sflag:s0] =	ssyncset.done $0x0  }
0x7f: {  	[sflag:s0] =	ssyncadd.s32 $0xFFFFFE70  }
0x80: {  	[tilespmem:s2], [sflag:$0x1] =	stream.linear.gather [hbm4b:s24+s4], $0x3200, $0x38;
	[tilespmem:$0x1EC30] =	vst v63  }
0x81: {  	_ =	swait.ge [sflag:s0], $0x3200  }
0x82: {  	[sflag:s0] =	ssyncset.done $0x0  }
0x83: {  	[sflag:s0] =	ssyncadd.s32 $0xFFFFCE00  }
0x84: {  	[spmem:s3] =	stream.indirect.scatter.add.f32 [tilespmem:s2], [sflag:$0x1], $0x20, s4, s31, $0xb8;
	[tilespmem:$0x1EC30] =	vst v63  }
0x85: {  	_ =	swait.ge [sflag:s0], $0x3200  }
0x86: {  	[sflag:s0] =	ssyncset.done $0x0  }
0x87: {  	[sflag:s0] =	ssyncadd.s32 $0xFFFFCE00  }
0x88: {  	[bflag:$0x0] =	sbarrier.arrive $0xFFFF  }
0x89: {  	[tilespmem:s31], [sflag:$0x2] =	stream.linear.gather [spmem:s15], $0x3200, $0x38;
	[tilespmem:$0x1EC30] =	vst v63  }
0x8a: {  	_ =	swait.ge [sflag:s1], $0x3200  }
0x8b: {  	[sflag:s1] =	ssyncset.done $0x0  }
0x8c: {  	s24 =	rddreg [dreg:$0x7];
	[sflag:s1] =	ssyncadd.s32 $0xFFFFCE00  }
0x8d: {  	[hbm4b:s24+s4] =	stream.linear.scatter [tilespmem:s31], [sflag:$0x1], $0x3200, $0x38;
	[tilespmem:$0x1EC30] =	vst v63  }
0x8e: {  	_ =	swait.ge [sflag:s0], $0x3200  }
0x8f: {  	[sflag:s0] =	ssyncset.done $0x0  }
0x90: {  	[sflag:s0] =	ssyncadd.s32 $0xFFFFCE00  }
0x91: {  	[tilespmem:s31], [sflag:$0x2] =	stream.linear.gather [spmem:s16], $0x3200, $0x38;
	[tilespmem:$0x1EC30] =	vst v63  }
0x92: {  	_ =	swait.ge [sflag:s1], $0x3200  }
0x93: {  	[sflag:s1] =	ssyncset.done $0x0  }
0x94: {  	s25 =	rddreg [dreg:$0x9];
	[sflag:s1] =	ssyncadd.s32 $0xFFFFCE00  }
0x95: {  	[hbm4b:s25+s4] =	stream.linear.scatter [tilespmem:s31], [sflag:$0x1], $0x3200, $0x38;
	[tilespmem:$0x1EC30] =	vst v63  }
0x96: {  	_ =	swait.ge [sflag:s0], $0x3200  }
0x97: {  	[sflag:s0] =	ssyncset.done $0x0  }
0x98: {  	[sflag:s0] =	ssyncadd.s32 $0xFFFFCE00  }
0x99: {  	[tilespmem:s31], [sflag:$0x2] =	stream.linear.gather [spmem:s17], $0x3200, $0x38;
	[tilespmem:$0x1EC30] =	vst v63  }
0x9a: {  	_ =	swait.ge [sflag:s1], $0x3200  }
0x9b: {  	[sflag:s1] =	ssyncset.done $0x0  }
0x9c: {  	s30 =	rddreg [dreg:$0xb];
	[sflag:s1] =	ssyncadd.s32 $0xFFFFCE00  }
0x9d: {  	[hbm4b:s30+s4] =	stream.linear.scatter [tilespmem:s31], [sflag:$0x1], $0x3200, $0x38;
	[tilespmem:$0x1EC30] =	vst v63  }
0x9e: {  	_ =	swait.ge [sflag:s0], $0x3200  }
0x9f: {  	[sflag:s0] =	ssyncset.done $0x0  }
0xa0: {  	[sflag:s0] =	ssyncadd.s32 $0xFFFFCE00  }
0xa1: {  	[tilespmem:s31], [sflag:$0x2] =	stream.linear.gather [spmem:s18], $0x3200, $0x38;
	[tilespmem:$0x1EC30] =	vst v63  }
0xa2: {  	_ =	swait.ge [sflag:s1], $0x3200  }
0xa3: {  	[sflag:s1] =	ssyncset.done $0x0  }
0xa4: {  	s22 =	rddreg [dreg:$0xd];
	[sflag:s1] =	ssyncadd.s32 $0xFFFFCE00  }
0xa5: {  	[hbm4b:s22+s4] =	stream.linear.scatter [tilespmem:s31], [sflag:$0x1], $0x3200, $0x38;
	[tilespmem:$0x1EC30] =	vst v63  }
0xa6: {  	_ =	swait.ge [sflag:s0], $0x3200  }
0xa7: {  	[sflag:s0] =	ssyncset.done $0x0  }
0xa8: {  	[sflag:s0] =	ssyncadd.s32 $0xFFFFCE00  }
0xa9: {  	[tilespmem:s31], [sflag:$0x2] =	stream.linear.gather [spmem:s19], $0x3200, $0x38;
	[tilespmem:$0x1EC30] =	vst v63  }
0xaa: {  	_ =	swait.ge [sflag:s1], $0x3200  }
0xab: {  	[sflag:s1] =	ssyncset.done $0x0  }
0xac: {  	s24 =	rddreg [dreg:$0xf];
	[sflag:s1] =	ssyncadd.s32 $0xFFFFCE00  }
0xad: {  	[hbm4b:s24+s4] =	stream.linear.scatter [tilespmem:s31], [sflag:$0x1], $0x3200, $0x38;
	[tilespmem:$0x1EC30] =	vst v63  }
0xae: {  	_ =	swait.ge [sflag:s0], $0x3200  }
0xaf: {  	[sflag:s0] =	ssyncset.done $0x0  }
0xb0: {  	[sflag:s0] =	ssyncadd.s32 $0xFFFFCE00  }
0xb1: {  	[tilespmem:s31], [sflag:$0x2] =	stream.linear.gather [spmem:s20], $0x3200, $0x38;
	[tilespmem:$0x1EC30] =	vst v63  }
0xb2: {  	_ =	swait.ge [sflag:s1], $0x3200  }
0xb3: {  	[sflag:s1] =	ssyncset.done $0x0  }
0xb4: {  	s25 =	rddreg [dreg:$0x11];
	[sflag:s1] =	ssyncadd.s32 $0xFFFFCE00  }
0xb5: {  	[hbm4b:s25+s4] =	stream.linear.scatter [tilespmem:s31], [sflag:$0x1], $0x3200, $0x38;
	[tilespmem:$0x1EC30] =	vst v63  }
0xb6: {  	_ =	swait.ge [sflag:s0], $0x3200  }
0xb7: {  	[sflag:s0] =	ssyncset.done $0x0  }
0xb8: {  	[sflag:s0] =	ssyncadd.s32 $0xFFFFCE00  }
0xb9: {  	[tilespmem:s31], [sflag:$0x2] =	stream.linear.gather [spmem:s21], $0x3200, $0x38;
	[tilespmem:$0x1EC30] =	vst v63  }
0xba: {  	_ =	swait.ge [sflag:s1], $0x3200  }
0xbb: {  	[sflag:s1] =	ssyncset.done $0x0  }
0xbc: {  	s30 =	rddreg [dreg:$0x13];
	[sflag:s1] =	ssyncadd.s32 $0xFFFFCE00  }
0xbd: {  	[hbm4b:s30+s4] =	stream.linear.scatter [tilespmem:s31], [sflag:$0x1], $0x3200, $0x38;
	[tilespmem:$0x1EC30] =	vst v63  }
.Ltmp5:
0xbe: {  	_ = 	snop;
	(pc) =	sbr.rel @p2 .LBB2_10-.Ltmp5, $4  }
.Ltmp6:
0xbf: {  	_ =	swait.ge [sflag:s0], $0x3200;
	(pc) =	sbr.rel @!p2 .LBB2_11-.Ltmp6, $4  }
0xc0: {  	[sflag:s0] =	ssyncset.done $0x0  }
0xc1: {  	[sflag:s0] =	ssyncadd.s32 $0xFFFFCE00  }
0xc2: {  	s24 =	rddreg [dreg:$0x1]  }
0xc3: {  	_ = 	snop  }
.LBB2_7:
0xc4: {  	s5 =	sadd.s32 $0x0, s26  }
0xc5: {  	[tilespmem:s4], [sflag:$0x1] =	stream.linear.gather [hbm4b:s5+s4], $0x190, $0x38;
	[tilespmem:$0x1EC30] =	vst v63  }
0xc6: {  	_ =	swait.ge [sflag:s0], $0x190  }
0xc7: {  	[sflag:s0] =	ssyncset.done $0x0  }
0xc8: {  	[sflag:s0] =	ssyncadd.s32 $0xFFFFFE70  }
0xc9: {  	[tilespmem:s2], [sflag:$0x1] =	stream.linear.gather [hbm4b:s28+s4], $0x3200, $0x38;
	[tilespmem:$0x1EC30] =	vst v63  }
0xca: {  	_ =	swait.ge [sflag:s0], $0x3200  }
0xcb: {  	[sflag:s0] =	ssyncset.done $0x0  }
0xcc: {  	[sflag:s0] =	ssyncadd.s32 $0xFFFFCE00  }
0xcd: {  	[spmem:s3] =	stream.indirect.scatter.add.f32 [tilespmem:s2], [sflag:$0x1], $0x20, s4, s31, $0xb8;
	[tilespmem:$0x1EC30] =	vst v63  }
0xce: {  	s25 =	simm.s32 $0x32;
	_ =	swait.ge [sflag:s0], $0x3200  }
0xcf: {  	s30 =	simm.s32 $0x64;
	s24 =	sadd.s32 $0x640, s28;
	[sflag:s0] =	ssyncset.done $0x0  }
.LBB2_8:
0xd0: {  	s5 =	sadd.s32 s25, s26  }
0xd1: {  	[sflag:s0] =	ssyncadd.s32 $0xFFFFCE00;
	s25 =	smov.u32 s30;
	s22 =	sadd.s32 $0x32, s30  }
0xd2: {  	[tilespmem:s4], [sflag:$0x1] =	stream.linear.gather [hbm4b:s5+s4], $0x190, $0x38;
	[tilespmem:$0x1EC30] =	vst v63  }
0xd3: {  	p3 =	seq.s32 s30, $0x30A2;
	_ =	swait.ge [sflag:s0], $0x190  }
0xd4: {  	[sflag:s0] =	ssyncset.done $0x0  }
0xd5: {  	[sflag:s0] =	ssyncadd.s32 $0xFFFFFE70  }
0xd6: {  	[tilespmem:s2], [sflag:$0x1] =	stream.linear.gather [hbm4b:s24+s4], $0x3200, $0x38;
	[tilespmem:$0x1EC30] =	vst v63  }
0xd7: {  	_ =	swait.ge [sflag:s0], $0x3200  }
.Ltmp7:
0xd8: {  	[sflag:s0] =	ssyncset.done $0x0;
	(pc) =	sbr.rel @!p3 .LBB2_8-.Ltmp7, $4  }
0xd9: {  	[sflag:s0] =	ssyncadd.s32 $0xFFFFCE00  }
0xda: {  	[spmem:s3] =	stream.indirect.scatter.add.f32 [tilespmem:s2], [sflag:$0x1], $0x20, s4, s31, $0xb8;
	[tilespmem:$0x1EC30] =	vst v63  }
0xdb: {  	_ =	swait.ge [sflag:s0], $0x3200  }
0xdc: {  	s30 =	smov.u32 s22;
	s24 =	sadd.s32 $0x640, s24;
	[sflag:s0] =	ssyncset.done $0x0  }
0xdd: {  	s5 =	sadd.s32 s25, s26;
	[sflag:s0] =	ssyncadd.s32 $0xFFFFCE00  }
0xde: {  	[tilespmem:s4], [sflag:$0x1] =	stream.linear.gather [hbm4b:s5+s4], $0x190, $0x38;
	[tilespmem:$0x1EC30] =	vst v63  }
0xdf: {  	_ =	swait.ge [sflag:s0], $0x190  }
0xe0: {  	[sflag:s0] =	ssyncset.done $0x0  }
0xe1: {  	[sflag:s0] =	ssyncadd.s32 $0xFFFFFE70  }
0xe2: {  	[tilespmem:s2], [sflag:$0x1] =	stream.linear.gather [hbm4b:s24+s4], $0x3200, $0x38;
	[tilespmem:$0x1EC30] =	vst v63  }
0xe3: {  	_ =	swait.ge [sflag:s0], $0x3200  }
0xe4: {  	[sflag:s0] =	ssyncset.done $0x0  }
0xe5: {  	[sflag:s0] =	ssyncadd.s32 $0xFFFFCE00  }
0xe6: {  	[spmem:s3] =	stream.indirect.scatter.add.f32 [tilespmem:s2], [sflag:$0x1], $0x20, s4, s31, $0xb8;
	[tilespmem:$0x1EC30] =	vst v63  }
0xe7: {  	_ =	swait.ge [sflag:s0], $0x3200  }
0xe8: {  	[sflag:s0] =	ssyncset.done $0x0  }
0xe9: {  	[sflag:s0] =	ssyncadd.s32 $0xFFFFCE00  }
0xea: {  	[bflag:$0x0] =	sbarrier.arrive $0xFFFF  }
0xeb: {  	[tilespmem:s31], [sflag:$0x2] =	stream.linear.gather [spmem:s15], $0x3200, $0x38;
	[tilespmem:$0x1EC30] =	vst v63  }
0xec: {  	_ =	swait.ge [sflag:s1], $0x3200  }
0xed: {  	[sflag:s1] =	ssyncset.done $0x0  }
0xee: {  	s24 =	rddreg [dreg:$0x6];
	[sflag:s1] =	ssyncadd.s32 $0xFFFFCE00  }
0xef: {  	[hbm4b:s24+s4] =	stream.linear.scatter [tilespmem:s31], [sflag:$0x1], $0x3200, $0x38;
	[tilespmem:$0x1EC30] =	vst v63  }
0xf0: {  	_ =	swait.ge [sflag:s0], $0x3200  }
0xf1: {  	[sflag:s0] =	ssyncset.done $0x0  }
0xf2: {  	[sflag:s0] =	ssyncadd.s32 $0xFFFFCE00  }
0xf3: {  	[tilespmem:s31], [sflag:$0x2] =	stream.linear.gather [spmem:s16], $0x3200, $0x38;
	[tilespmem:$0x1EC30] =	vst v63  }
0xf4: {  	_ =	swait.ge [sflag:s1], $0x3200  }
0xf5: {  	[sflag:s1] =	ssyncset.done $0x0  }
0xf6: {  	s25 =	rddreg [dreg:$0x8];
	[sflag:s1] =	ssyncadd.s32 $0xFFFFCE00  }
0xf7: {  	[hbm4b:s25+s4] =	stream.linear.scatter [tilespmem:s31], [sflag:$0x1], $0x3200, $0x38;
	[tilespmem:$0x1EC30] =	vst v63  }
0xf8: {  	_ =	swait.ge [sflag:s0], $0x3200  }
0xf9: {  	[sflag:s0] =	ssyncset.done $0x0  }
0xfa: {  	[sflag:s0] =	ssyncadd.s32 $0xFFFFCE00  }
0xfb: {  	[tilespmem:s31], [sflag:$0x2] =	stream.linear.gather [spmem:s17], $0x3200, $0x38;
	[tilespmem:$0x1EC30] =	vst v63  }
0xfc: {  	_ =	swait.ge [sflag:s1], $0x3200  }
0xfd: {  	[sflag:s1] =	ssyncset.done $0x0  }
0xfe: {  	s30 =	rddreg [dreg:$0xa];
	[sflag:s1] =	ssyncadd.s32 $0xFFFFCE00  }
0xff: {  	[hbm4b:s30+s4] =	stream.linear.scatter [tilespmem:s31], [sflag:$0x1], $0x3200, $0x38;
	[tilespmem:$0x1EC30] =	vst v63  }
0x100: {  	_ =	swait.ge [sflag:s0], $0x3200  }
0x101: {  	[sflag:s0] =	ssyncset.done $0x0  }
0x102: {  	[sflag:s0] =	ssyncadd.s32 $0xFFFFCE00  }
0x103: {  	[tilespmem:s31], [sflag:$0x2] =	stream.linear.gather [spmem:s18], $0x3200, $0x38;
	[tilespmem:$0x1EC30] =	vst v63  }
0x104: {  	_ =	swait.ge [sflag:s1], $0x3200  }
0x105: {  	[sflag:s1] =	ssyncset.done $0x0  }
0x106: {  	s22 =	rddreg [dreg:$0xc];
	[sflag:s1] =	ssyncadd.s32 $0xFFFFCE00  }
0x107: {  	[hbm4b:s22+s4] =	stream.linear.scatter [tilespmem:s31], [sflag:$0x1], $0x3200, $0x38;
	[tilespmem:$0x1EC30] =	vst v63  }
0x108: {  	_ =	swait.ge [sflag:s0], $0x3200  }
0x109: {  	[sflag:s0] =	ssyncset.done $0x0  }
0x10a: {  	[sflag:s0] =	ssyncadd.s32 $0xFFFFCE00  }
0x10b: {  	[tilespmem:s31], [sflag:$0x2] =	stream.linear.gather [spmem:s19], $0x3200, $0x38;
	[tilespmem:$0x1EC30] =	vst v63  }
0x10c: {  	_ =	swait.ge [sflag:s1], $0x3200  }
0x10d: {  	[sflag:s1] =	ssyncset.done $0x0  }
0x10e: {  	s24 =	rddreg [dreg:$0xe];
	[sflag:s1] =	ssyncadd.s32 $0xFFFFCE00  }
0x10f: {  	[hbm4b:s24+s4] =	stream.linear.scatter [tilespmem:s31], [sflag:$0x1], $0x3200, $0x38;
	[tilespmem:$0x1EC30] =	vst v63  }
0x110: {  	_ =	swait.ge [sflag:s0], $0x3200  }
0x111: {  	[sflag:s0] =	ssyncset.done $0x0  }
0x112: {  	[sflag:s0] =	ssyncadd.s32 $0xFFFFCE00  }
0x113: {  	[tilespmem:s31], [sflag:$0x2] =	stream.linear.gather [spmem:s20], $0x3200, $0x38;
	[tilespmem:$0x1EC30] =	vst v63  }
0x114: {  	_ =	swait.ge [sflag:s1], $0x3200  }
0x115: {  	[sflag:s1] =	ssyncset.done $0x0  }
0x116: {  	s25 =	rddreg [dreg:$0x10];
	[sflag:s1] =	ssyncadd.s32 $0xFFFFCE00  }
0x117: {  	[hbm4b:s25+s4] =	stream.linear.scatter [tilespmem:s31], [sflag:$0x1], $0x3200, $0x38;
	[tilespmem:$0x1EC30] =	vst v63  }
0x118: {  	_ =	swait.ge [sflag:s0], $0x3200  }
0x119: {  	[sflag:s0] =	ssyncset.done $0x0  }
0x11a: {  	[sflag:s0] =	ssyncadd.s32 $0xFFFFCE00  }
0x11b: {  	[tilespmem:s31], [sflag:$0x2] =	stream.linear.gather [spmem:s21], $0x3200, $0x38;
	[tilespmem:$0x1EC30] =	vst v63  }
0x11c: {  	_ =	swait.ge [sflag:s1], $0x3200  }
0x11d: {  	[sflag:s1] =	ssyncset.done $0x0  }
0x11e: {  	s30 =	rddreg [dreg:$0x12];
	[sflag:s1] =	ssyncadd.s32 $0xFFFFCE00  }
0x11f: {  	[hbm4b:s30+s4] =	stream.linear.scatter [tilespmem:s31], [sflag:$0x1], $0x3200, $0x38;
	[tilespmem:$0x1EC30] =	vst v63  }
.Ltmp8:
0x120: {  	_ = 	snop;
	(pc) =	sbr.rel @p1 .LBB2_11-.Ltmp8, $4  }
.Ltmp9:
0x121: {  	_ = 	snop;
	(pc) =	sbr.rel @!p1 .LBB2_10-.Ltmp9, $4  }
0x122: {  	_ =	swait.ge [sflag:s0], $0x3200  }
0x123: {  	[sflag:s0] =	ssyncset.done $0x0  }
0x124: {  	s24 =	rddreg [dreg:$0x4];
	[sflag:s0] =	ssyncadd.s32 $0xFFFFCE00  }
0x125: {  	_ = 	snop  }
.LBB2_12:
0x126: {  	_ =	sfence.sel $0x180000  }
0x127: {  	[bflag:$0x0] =	sbarrier.arrive $0xFFFF  }
0x128: {  	_ =	strace $0x9000004A  }
0x129: {  	s0 =	stileid.u32;
	[bflag:$0x2] =	sbarrier.arrive $0xFFFF  }
0x12a: {  	p0 =	sne.s32 s0, $0x0;
	s0 =	rddreg [dreg:$0x3]  }
0x12b: {  	s0 =	sadd.s32 @!p0 $0x100000, s0  }
0x12c: {  	[sflag:s0] =	ssyncadd.tile.s32 @!p0 $0x1;
	_ =	shalt  }
.Lfunc_end2:
_tile_overlayer_lowered:
.L_overlay_start_2:
0x12d: {  	(tag) =	ssettag $0x2  }
0x12e: {  	s0 =	rddreg [dreg:$0x0];
	s2 =	stileid.u32  }
0x12f: {  	s1 =	rddreg [dreg:$0x1];
	p0 =	sne.s32 s2, $0x0  }
0x130: {  	s3 =	rddreg [dreg:$0x2];
	[bflag:$0x3] =	sbarrier.arrive $0xFFFF;
	s2 =	simm.s32 @!p0 $0x1C01  }
0x131: {  	[timem:s3], [sflag:s2] =	dma.local @!p0 [hbm:s0], s1  }
0x132: {  	s0 =	simm.s32 @!p0 $0x1  }
0x133: {  	_ =	swait.ge @!p0 [sflag:s0], s1  }
0x134: {  	s1 =	ssub.s32 @!p0 $0x0, s1;
	[sflag:s0] =	ssyncset.done @!p0 $0x0  }
0x135: {  	[sflag:s0] =	ssyncadd.s32 @!p0 s1  }
0x136: {  	[bflag:$0x3] =	sbarrier.arrive $0xFFFF  }
0x137: {  	_ =	shalt  }

// kernel: kernel.7.cloned.1.call-start
scs
__scs_entry_jumppad:
0x0: {  	(pc) =	sbr.rel $0x88, $3  }
0x1: {  	(tag) =	ssettag $0x0;
	lr =	simm.s32 $0x1  }
0x2: {  	[smem:$0x3F8C] =	sst lr;
	_ =	strace $0xD0000000  }
0x3: {  	_ = 	snop  }
0x4: {  	_ = 	snop  }
0x5: {  	_ = 	snop  }
0x6: {  	_ = 	snop  }
0x7: {  	_ = 	snop  }
__scs_overlays_trampoline_lowered:
0x8: {  	[smem:$0x3F9B] =	sst s0  }
0x9: {  	[smem:$0x3F9C] =	sst s1  }
0xa: {  	[smem:$0x3F9D] =	sst s2  }
0xb: {  	[smem:$0x3F9E] =	sst s3  }
0xc: {  	[smem:$0x3F9F] =	sst s4  }
0xd: {  	[smem:$0x3FA0] =	sst s5  }
0xe: {  	[smem:$0x3FA1] =	sst s6  }
0xf: {  	[smem:$0x3FA2] =	sst s7  }
0x10: {  	[smem:$0x3FA3] =	sst s8  }
0x11: {  	[smem:$0x3FA4] =	sst s9;
	s0 =	simm.s32 @!p0 $0x0  }
0x12: {  	s1 =	sld [smem:$0x3F8A];
	s0 =	simm.s32 @p0 $0x1  }
0x13: {  	[smem:$0x3FA5] =	sst s0;
	s0 =	simm.s32 @!p1 $0x0  }
0x14: {  	s2 =	sld [smem:$0x3F89];
	s0 =	simm.s32 @p1 $0x1  }
0x15: {  	[smem:$0x3FA6] =	sst s0;
	s0 =	simm.s32 @!p2 $0x0  }
0x16: {  	s3 =	sld [smem:$0x3FDB];
	s0 =	simm.s32 @p2 $0x1  }
0x17: {  	s4 =	simm.s32 $0x1BF5;
	[smem:$0x3FA8] =	sst s0  }
0x18: {  	s0 =	sld [smem:$0x3F8B];
	_ =	swait.ge [sflag:s4], $0x0  }
0x19: {  	s7 =	sld [smem:$0x3F8C]  }
0x1a: {  	s8 =	sadd.s32 $0xFFFFE003, lr  }
0x1b: {  	s9 =	sadd.s32 $0xFFFFFEF7, lr;
	s5 =	simm.s32 $0xFFFFFFFF;
	p2 =	slt.u32 s8, $0xFFFFF086  }
0x1c: {  	p1 =	slt.u32 s9, $0xF7A;
	s5 =	simm.s32 @!p2 $0x0  }
0x1d: {  	s5 =	simm.s32 @p1 $0x1;
	p0 =	seq.s32 s7, s2  }
0x1e: {  	s7 =	smul.u32 @!p0 $0xF7A, s2;
	p2 =	seq.s32 @!p0 s5, $0x0  }
0x1f: {  	s9 =	smul.u32 $0xF7A, s1;
	s8 =	simm.s32 @!p0 $0x1BF5;
	p2 =	por !p2, p0  }
0x20: {  	[sflag:s8] =	ssyncset.s32 @!p0 $0xFFFFF086;
	s6 =	sadd.s32 @!p0 s3, s7;
	s7 =	simm.s32 @!p0 $0x108  }
0x21: {  	s3 =	sadd.s32 s3, s9;
	s6 =	sadd.s32 @!p0 $0x88, s6;
	s7 =	simm.s32 @p2 $0x1082  }
0x22: {  	[simem:s7], [sflag:s8] =	dma.local @!p0 [hbm:s6], $0xF7A  }
0x23: {  	s9 =	sor.u32 $0xD0000000, s2;
	s6 =	simm.s32 $0x108;
	_ =	swait.ge @!p0 [sflag:s8], $0x0  }
0x24: {  	s3 =	sadd.s32 $0x88, s3;
	s6 =	simm.s32 @!p1 $0x1082;
	[sflag:s4] =	ssyncset.s32 $0xFFFFF086  }
0x25: {  	[simem:s6], [sflag:s4] =	dma.local [hbm:s3], $0xF7A  }
0x26: {  	[smem:$0x3F8C] =	sst s1;
	(tag) =	ssettag s2;
	_ =	strace s9  }
0x27: {  	s1 =	sld [smem:$0x3F9C]  }
0x28: {  	s2 =	sld [smem:$0x3F9D]  }
0x29: {  	s4 =	sld [smem:$0x3F9F]  }
0x2a: {  	p0 =	seq.s32 s5, $0x0;
	s5 =	sld [smem:$0x3FA0]  }
0x2b: {  	s6 =	sld [smem:$0x3FA1]  }
0x2c: {  	s7 =	sld [smem:$0x3FA2]  }
0x2d: {  	s3 =	simm.s32 $0x108;
	s8 =	sld [smem:$0x3FA3]  }
0x2e: {  	s3 =	simm.s32 @!p0 $0x1082;
	s9 =	sld [smem:$0x3FA4]  }
0x2f: {  	lr =	sadd.s32 s0, s3;
	s0 =	sld [smem:$0x3F9B]  }
0x30: {  	s3 =	sld [smem:$0x3F9E]  }
0x31: {  	[smem:$0x3FA7] =	sst s10  }
0x32: {  	s10 =	sld [smem:$0x3FA5];
	_ =	sdelay $0x3  }
0x33: {  	p0 =	seq.s32 s10, $0x1;
	s10 =	sld [smem:$0x3FA7];
	_ =	sdelay $0x3  }
0x34: {  	[smem:$0x3FA7] =	sst s10  }
0x35: {  	s10 =	sld [smem:$0x3FA6];
	_ =	sdelay $0x3  }
0x36: {  	p1 =	seq.s32 s10, $0x1;
	s10 =	sld [smem:$0x3FA7];
	_ =	sdelay $0x3  }
0x37: {  	[smem:$0x3FA7] =	sst s10  }
0x38: {  	s10 =	sld [smem:$0x3FA8]  }
0x39: {  	_ = 	snop;
	(pc) =	sbr.ind lr, $3  }
0x3a: {  	_ = 	snop  }
0x3b: {  	_ = 	snop  }
0x3c: {  	p2 =	seq.s32 s10, $0x1;
	s10 =	sld [smem:$0x3FA7]  }
0x3d: {  	_ =	shalt  }
0x3e: {  	_ =	shalt  }
0x3f: {  	_ =	shalt  }
0x40: {  	_ =	shalt  }
0x41: {  	_ =	shalt  }
0x42: {  	_ =	shalt  }
0x43: {  	_ =	shalt  }
0x44: {  	_ =	shalt  }
0x45: {  	_ =	shalt  }
0x46: {  	_ =	shalt  }
0x47: {  	_ =	shalt  }
0x48: {  	_ =	shalt  }
0x49: {  	_ =	shalt  }
0x4a: {  	_ =	shalt  }
0x4b: {  	_ =	shalt  }
0x4c: {  	_ =	shalt  }
0x4d: {  	_ =	shalt  }
0x4e: {  	_ =	shalt  }
0x4f: {  	_ =	shalt  }
0x50: {  	_ =	shalt  }
0x51: {  	_ =	shalt  }
0x52: {  	_ =	shalt  }
0x53: {  	_ =	shalt  }
0x54: {  	_ =	shalt  }
0x55: {  	_ =	shalt  }
0x56: {  	_ =	shalt  }
0x57: {  	_ =	shalt  }
0x58: {  	_ =	shalt  }
0x59: {  	_ =	shalt  }
0x5a: {  	_ =	shalt  }
0x5b: {  	_ =	shalt  }
0x5c: {  	_ =	shalt  }
0x5d: {  	_ =	shalt  }
0x5e: {  	_ =	shalt  }
0x5f: {  	_ =	shalt  }
0x60: {  	_ =	shalt  }
0x61: {  	_ =	shalt  }
0x62: {  	_ =	shalt  }
0x63: {  	_ =	shalt  }
0x64: {  	_ =	shalt  }
0x65: {  	_ =	shalt  }
0x66: {  	_ =	shalt  }
0x67: {  	_ =	shalt  }
0x68: {  	_ =	shalt  }
0x69: {  	_ =	shalt  }
0x6a: {  	_ =	shalt  }
0x6b: {  	_ =	shalt  }
0x6c: {  	_ =	shalt  }
0x6d: {  	_ =	shalt  }
0x6e: {  	_ =	shalt  }
0x6f: {  	_ =	shalt  }
0x70: {  	_ =	shalt  }
0x71: {  	_ =	shalt  }
0x72: {  	_ =	shalt  }
0x73: {  	_ =	shalt  }
0x74: {  	_ =	shalt  }
0x75: {  	_ =	shalt  }
0x76: {  	_ =	shalt  }
0x77: {  	_ =	shalt  }
0x78: {  	_ =	shalt  }
0x79: {  	_ =	shalt  }
0x7a: {  	_ =	shalt  }
0x7b: {  	_ =	shalt  }
0x7c: {  	_ =	shalt  }
0x7d: {  	_ =	shalt  }
0x7e: {  	_ =	shalt  }
0x7f: {  	_ =	shalt  }
0x80: {  	_ =	shalt  }
0x81: {  	_ =	shalt  }
0x82: {  	_ =	shalt  }
0x83: {  	_ =	shalt  }
0x84: {  	_ =	shalt  }
0x85: {  	_ =	shalt  }
0x86: {  	_ =	shalt  }
0x87: {  	_ =	shalt  }
.Lfunc_end0:
.L_simem_size_0:
called_computation_lowered:
.L_overlay_start_0:
0x88: {  	s2 =	sld [smem:$0x3FD9]  }
0x89: {  	s3 =	sld [smem:$0x3FFE];
	_ =	sdelay $0x1  }
0x8a: {  	s1 =	srdreg.scid  }
0x8b: {  	s0 =	sand.u32 $0x1, s1  }
0x8c: {  	s14 =	sshll.u32 s0, $0xA;
	s2 =	sadd.s32 s3, s2  }
0x8d: {  	s2 =	sadd.s32 s2, s14  }
0x8e: {  	[smem:$0x3FB3] =	sst s2  }
0x8f: {  	_ = 	snop  }
0x90: {  	s2 =	sld [smem:$0x3FD0];
	_ =	sdelay $0x2  }
0x91: {  	s15 =	simm.s32 $0xA;
	s4 =	simm.s32 $0x10  }
0x92: {  	[smem:s4], [sflag:s15] =	dma.local [hbm:s2], $0x1  }
0x93: {  	_ =	swait.eq [sflag:s15], $0x1  }
0x94: {  	[sflag:s15] =	ssyncset.done $0x0  }
0x95: {  	[sflag:s15] =	ssyncadd.s32 $0xFFFFFFFF  }
0x96: {  	s16 =	sld [smem:$0x11];
	(tm) =	ssettm $0x1  }
0x97: {  	s17 =	sld [smem:$0x3FFB];
	_ =	sdelay $0x3  }
0x98: {  	_ =	strace s17  }
0x99: {  	s3 =	sld [smem:$0x3FFC];
	_ =	sdelay $0x3  }
0x9a: {  	_ =	strace s3  }
0x9b: {  	s3 =	sld [smem:$0x3FFD];
	_ =	sdelay $0x3  }
0x9c: {  	_ =	strace s3  }
0x9d: {  	_ =	strace $0x8FFFFFFF  }
0x9e: {  	s18 =	sld [smem:$0x3FDB];
	_ =	sdelay $0x1  }
0x9f: {  	s19 =	simm.s32 $_scs_section_size  }
0xa0: {  	s5 =	simm.s32 $_size__tile_overlayer_lowered;
	s6 =	simm.s32 $_tile_overlayer_lowered  }
0xa1: {  	s22 =	simm.s32 $0x1BFF;
	s21 =	sshll.u32 s6, $0x1;
	s3 =	sadd.s32 s19, s18  }
0xa2: {  	s7 =	simm.s32 $0x0;
	s20 =	sshll.u32 s5, $0x1;
	s5 =	sadd.s32 s21, s3  }
0xa3: {  	[timem:s7], [sflag:s22] =	dma.local [hbm:s5], s20  }
0xa4: {  	_ =	swait.ge [sflag:s22], s20  }
0xa5: {  	s4 =	ssub.s32 $0x0, s20;
	[sflag:s22] =	ssyncset.done $0x0  }
0xa6: {  	[sflag:s22] =	ssyncadd.s32 s4;
	_ =	sdelay $0x1  }
0xa7: {  	s23 =	simm.s32 $0x1B8B  }
0xa8: {  	_ =	swait.ge [sflag:s23], $0x1  }
0xa9: {  	[sflag:s23] =	ssyncset.done $0x0  }
0xaa: {  	s25 =	simm.s32 $0x1B8E;
	s24 =	sld [smem:$0x3FFE];
	[sflag:s23] =	ssyncadd.s32 $0xFFFFFFFF  }
0xab: {  	s26 =	simm.s32 $execute0_lowered;
	[smem:$0x3FD2] =	sst s25  }
0xac: {  	s5 =	sshll.u32 s26, $0x1;
	_ =	strace $0x80000046;
	[dreg:$0x1] =	wrdreg $0xFFFFFFFF  }
0xad: {  	s28 =	simm.s32 $_size_execute0_lowered;
	s3 =	sadd.s32 s3, s5;
	[dreg:$0x0] =	wrdreg $0x0  }
0xae: {  	s5 =	sshll.u32 s28, $0x1;
	[dreg:$0x2] =	wrdreg s3  }
0xaf: {  	[dreg:$0x3] =	wrdreg s5  }
0xb0: {  	[dreg:$0x4] =	wrdreg $0xC0  }
0xb1: {  	_ =	task [dreg:s7], $0x5FFFF  }
0xb2: {  	[dreg:$0x1] =	wrdreg $0xFFFFFFFF  }
0xb3: {  	[dreg:$0x0] =	wrdreg $0x60  }
0xb4: {  	[dreg:$0x2] =	wrdreg s24  }
0xb5: {  	[dreg:$0x3] =	wrdreg s16  }
0xb6: {  	[dreg:$0x4] =	wrdreg $0x9  }
0xb7: {  	_ =	task.clear_ibuf [dreg:s7], $0x5FFFF;
	_ =	strace $0x90000046  }
0xb8: {  	s29 =	simm.s32 $0x9;
	_ =	strace $0x80000048  }
0xb9: {  	_ =	swait.ge [sflag:s29], $0x1  }
0xba: {  	[sflag:s29] =	ssyncadd.s32 $0xFFFFFFFF  }
0xbb: {  	_ =	strace $0x90000048  }
0xbc: {  	_ =	sfence  }
0xbd: {  	s30 =	sld [smem:$0x0];
	_ =	sdelay $0x2  }
0xbe: {  	s31 =	sshll.u32 s1, $0xD;
	s1 =	sshrl.u32 s1, $0x2  }
0xbf: {  	s3 =	sand.u32 $0x4000, s31;
	s1 =	sadd.s32 s1, s30  }
0xc0: {  	s0 =	sor.u32 s3, s0;
	s1 =	sshll.u32 s1, $0x11  }
0xc1: {  	s0 =	sor.u32 s1, s0  }
0xc2: {  	s0 =	sadd.s32 $0x8F2B, s0  }
0xc3: {  	[sflag:s0] =	ssyncadd.remote.s32 $0x1  }
0xc4: {  	_ =	sfence.sel $0xFFFF  }
0xc5: {  	[dreg:$0x0] =	wrdreg $0xFFFFFFFF;
	(pc) =	sbr.abs _section_cstart, $3  }
0xc6: {  	[dreg:$0x1] =	wrdreg $0xFFFFFFFF  }
0xc7: {  	_ =	task.clear_ibuf [dreg:s7], $0x2FFFF;
	_ =	strace $0x9FFFFFFF  }
0xc8: {  	(tm) =	ssettm $0x7FFFFFFF  }
0xc9: {  	_ =	shalt  }
tec
execute0_lowered:
.L_overlay_start_1:
0x0: {  	(tag) =	ssettag $0x1  }
0x1: {  	s5 =	rddreg [dreg:$0x0]  }
0x2: {  	s8 =	rddreg [dreg:$0x1]  }
0x3: {  	s0 =	rddreg [dreg:$0x2];
	s2 =	simm.s32 $0x0;
	s3 =	srdreg.scid  }
0x4: {  	s1 =	stileid.u32;
	s13 =	simm.s32 $0x101D0;
	s14 =	simm.s32 $0x1  }
0x5: {  	s15 =	simm.s32 $0x2;
	s16 =	simm.s32 $0x0;
	s7 =	smul.u32 $0x186A0, s1  }
0x6: {  	[smem:$0x7FF] =	sst s2;
	s6 =	sand.u32 $0x1, s3;
	s10 =	smul.u32 $0xC3500, s1  }
0x7: {  	s3 =	sadd.s32 $0x38200, s5;
	s4 =	sadd.s32 $0x99E00, s5;
	s9 =	smul.u32 $0xC350, s6  }
0x8: {  	_ =	strace $0x80000047;
	s28 =	ssub.s32 $0x2, s6;
	s6 =	smul.u32 $0x61A80, s6  }
0x9: {  	s29 =	sadd.s32 s10, s5;
	s30 =	sshrl.u32 s28, $0x1;
	s7 =	sadd.s32 s9, s7  }
0xa: {  	s10 =	simm.s32 $0x3;
	s31 =	ssub.s32 s28, s30;
	s11 =	sshrl.u32 s7, $0x3  }
0xb: {  	s7 =	sadd.s32 s6, s29;
	s12 =	sadd.s32 s11, s5;
	s5 =	smax.u32 s31, $0x1  }
0xc: {  	s6 =	sadd.s32 $0xFBA00, s7;
	s7 =	sadd.s32 $0xD30A00, s7;
	s8 =	sadd.s32 s11, s8  }
0xd: {  	s11 =	simm.s32 $0x3E8;
	s9 =	sadd.s32 $0x7400, s12;
	s12 =	simm.s32 $0x7D0  }
.LBB2_1:
0xe: {  	s17 =	sadd.s32 $0x0, s9  }
0xf: {  	[tilespmem:s2], [sflag:$0x3] =	stream.linear.gather [hbm4b:s17+s2], $0x3E8, $0x38;
	[tilespmem:$0x1FBD0] =	vst v63  }
0x10: {  	_ =	swait.ge [sflag:s10], $0x3E8  }
0x11: {  	[sflag:s10] =	ssyncset.done $0x0  }
0x12: {  	s31 =	sadd.s32 $0x0, s8;
	[sflag:s10] =	ssyncadd.s32 $0xFFFFFC18  }
0x13: {  	[tilespmem:s11], [sflag:$0x3] =	stream.linear.gather [hbm4b:s31+s2], $0x3E8, $0x38;
	[tilespmem:$0x1FBD0] =	vst v63  }
0x14: {  	_ =	swait.ge [sflag:s10], $0x3E8  }
0x15: {  	[sflag:s10] =	ssyncset.done $0x0  }
0x16: {  	[sflag:s10] =	ssyncadd.s32 $0xFFFFFC18  }
0x17: {  	[tilespmem:s12], [sflag:$0x1] =	stream.indirect.gather [hbm4b:s3+s11], $0x40, s2, s11, $0xb8;
	[tilespmem:$0x1FBD0] =	vst v63  }
0x18: {  	_ = 	snop  }
0x19: {  	[tilespmem:s13], [sflag:$0x2] =	stream.indirect.gather [hbm4b:s4+s11], $0x40, s11, s11, $0xb8;
	[tilespmem:$0x1FBD0] =	vst v63  }
0x1a: {  	_ =	swait.ge [sflag:s14], $0xFA00  }
0x1b: {  	[sflag:s14] =	ssyncset.done $0x0  }
0x1c: {  	[sflag:s14] =	ssyncadd.s32 $0xFFFF0600  }
0x1d: {  	_ =	swait.ge [sflag:s15], $0xFA00  }
0x1e: {  	[sflag:s15] =	ssyncset.done $0x0  }
0x1f: {  	[sflag:s15] =	ssyncadd.s32 $0xFFFF0600  }
0x20: {  	[hbm4b:s7+s2] =	stream.linear.scatter [tilespmem:s12], [sflag:$0x3], $0xFA00, $0x38;
	[tilespmem:$0x1FBD0] =	vst v63  }
0x21: {  	_ =	swait.ge [sflag:s10], $0xFA00  }
0x22: {  	[sflag:s10] =	ssyncset.done $0x0  }
0x23: {  	[sflag:s10] =	ssyncadd.s32 $0xFFFF0600  }
0x24: {  	[hbm4b:s6+s2] =	stream.linear.scatter [tilespmem:s13], [sflag:$0x3], $0xFA00, $0x38;
	[tilespmem:$0x1FBD0] =	vst v63  }
0x25: {  	s19 =	simm.s32 $0x7D;
	s20 =	simm.s32 $0xFA;
	_ =	swait.ge [sflag:s10], $0xFA00  }
0x26: {  	s18 =	sadd.s32 $0x1F40, s7;
	s17 =	sadd.s32 $0x1F40, s6;
	[sflag:s10] =	ssyncset.done $0x0  }
.LBB2_2:
0x27: {  	s21 =	sadd.s32 s19, s9  }
0x28: {  	[sflag:s10] =	ssyncadd.s32 $0xFFFF0600;
	s22 =	smov.u32 s20;
	s23 =	sadd.s32 $0x7D, s20  }
0x29: {  	[tilespmem:s2], [sflag:$0x3] =	stream.linear.gather [hbm4b:s21+s2], $0x3E8, $0x38;
	[tilespmem:$0x1FBD0] =	vst v63  }
0x2a: {  	p0 =	sne.s32 s20, $0x17ED;
	_ =	swait.ge [sflag:s10], $0x3E8  }
0x2b: {  	[sflag:s10] =	ssyncset.done $0x0  }
0x2c: {  	s20 =	sadd.s32 s19, s8;
	s19 =	smov.u32 s22;
	[sflag:s10] =	ssyncadd.s32 $0xFFFFFC18  }
0x2d: {  	[tilespmem:s11], [sflag:$0x3] =	stream.linear.gather [hbm4b:s20+s2], $0x3E8, $0x38;
	[tilespmem:$0x1FBD0] =	vst v63  }
0x2e: {  	_ =	swait.ge [sflag:s10], $0x3E8  }
0x2f: {  	[sflag:s10] =	ssyncset.done $0x0  }
0x30: {  	[sflag:s10] =	ssyncadd.s32 $0xFFFFFC18  }
0x31: {  	[tilespmem:s12], [sflag:$0x1] =	stream.indirect.gather [hbm4b:s3+s11], $0x40, s2, s11, $0xb8;
	[tilespmem:$0x1FBD0] =	vst v63  }
0x32: {  	_ = 	snop  }
0x33: {  	[tilespmem:s13], [sflag:$0x2] =	stream.indirect.gather [hbm4b:s4+s11], $0x40, s11, s11, $0xb8;
	[tilespmem:$0x1FBD0] =	vst v63  }
0x34: {  	_ =	swait.ge [sflag:s14], $0xFA00  }
0x35: {  	[sflag:s14] =	ssyncset.done $0x0  }
0x36: {  	[sflag:s14] =	ssyncadd.s32 $0xFFFF0600  }
0x37: {  	_ =	swait.ge [sflag:s15], $0xFA00  }
0x38: {  	[sflag:s15] =	ssyncset.done $0x0  }
0x39: {  	[sflag:s15] =	ssyncadd.s32 $0xFFFF0600  }
0x3a: {  	[hbm4b:s18+s2] =	stream.linear.scatter [tilespmem:s12], [sflag:$0x3], $0xFA00, $0x38;
	[tilespmem:$0x1FBD0] =	vst v63  }
0x3b: {  	_ =	swait.ge [sflag:s10], $0xFA00  }
.Ltmp0:
0x3c: {  	[sflag:s10] =	ssyncset.done $0x0;
	(pc) =	sbr.rel @p0 .LBB2_2-.Ltmp0, $4  }
0x3d: {  	[sflag:s10] =	ssyncadd.s32 $0xFFFF0600  }
0x3e: {  	[hbm4b:s17+s2] =	stream.linear.scatter [tilespmem:s13], [sflag:$0x3], $0xFA00, $0x38;
	[tilespmem:$0x1FBD0] =	vst v63  }
0x3f: {  	s20 =	smov.u32 s23;
	_ =	swait.ge [sflag:s10], $0xFA00  }
0x40: {  	s18 =	sadd.s32 $0x1F40, s18;
	s17 =	sadd.s32 $0x1F40, s17;
	[sflag:s10] =	ssyncset.done $0x0  }
0x41: {  	s20 =	sadd.s32 s19, s9;
	[sflag:s10] =	ssyncadd.s32 $0xFFFF0600  }
0x42: {  	[tilespmem:s2], [sflag:$0x3] =	stream.linear.gather [hbm4b:s20+s2], $0x3E8, $0x38;
	[tilespmem:$0x1FBD0] =	vst v63  }
0x43: {  	_ =	swait.ge [sflag:s10], $0x3E8  }
0x44: {  	[sflag:s10] =	ssyncset.done $0x0  }
0x45: {  	s31 =	sadd.s32 s19, s8;
	[sflag:s10] =	ssyncadd.s32 $0xFFFFFC18  }
0x46: {  	[tilespmem:s11], [sflag:$0x3] =	stream.linear.gather [hbm4b:s31+s2], $0x3E8, $0x38;
	[tilespmem:$0x1FBD0] =	vst v63  }
0x47: {  	_ =	swait.ge [sflag:s10], $0x3E8  }
0x48: {  	[sflag:s10] =	ssyncset.done $0x0  }
0x49: {  	[sflag:s10] =	ssyncadd.s32 $0xFFFFFC18  }
0x4a: {  	[tilespmem:s12], [sflag:$0x1] =	stream.indirect.gather [hbm4b:s3+s11], $0x40, s2, s11, $0xb8;
	[tilespmem:$0x1FBD0] =	vst v63  }
0x4b: {  	_ = 	snop  }
0x4c: {  	[tilespmem:s13], [sflag:$0x2] =	stream.indirect.gather [hbm4b:s4+s11], $0x40, s11, s11, $0xb8;
	[tilespmem:$0x1FBD0] =	vst v63  }
0x4d: {  	_ =	swait.ge [sflag:s14], $0xFA00  }
0x4e: {  	[sflag:s14] =	ssyncset.done $0x0  }
0x4f: {  	[sflag:s14] =	ssyncadd.s32 $0xFFFF0600  }
0x50: {  	_ =	swait.ge [sflag:s15], $0xFA00  }
0x51: {  	[sflag:s15] =	ssyncset.done $0x0  }
0x52: {  	[sflag:s15] =	ssyncadd.s32 $0xFFFF0600  }
0x53: {  	[hbm4b:s18+s2] =	stream.linear.scatter [tilespmem:s12], [sflag:$0x3], $0xFA00, $0x38;
	[tilespmem:$0x1FBD0] =	vst v63  }
0x54: {  	s16 =	sadd.s32 $0x1, s16;
	_ =	swait.ge [sflag:s10], $0xFA00  }
0x55: {  	p0 =	sne.s32 s16, s5;
	[sflag:s10] =	ssyncset.done $0x0  }
.Ltmp1:
0x56: {  	[sflag:s10] =	ssyncadd.s32 $0xFFFF0600;
	(pc) =	sbr.rel @p0 .LBB2_1-.Ltmp1, $4  }
0x57: {  	[hbm4b:s17+s2] =	stream.linear.scatter [tilespmem:s13], [sflag:$0x3], $0xFA00, $0x38;
	[tilespmem:$0x1FBD0] =	vst v63  }
0x58: {  	_ =	swait.ge [sflag:s10], $0xFA00  }
0x59: {  	[sflag:s10] =	ssyncset.done $0x0  }
0x5a: {  	[sflag:s10] =	ssyncadd.s32 $0xFFFF0600  }
0x5b: {  	_ =	sfence.sel $0x180000  }
0x5c: {  	[bflag:$0x0] =	sbarrier.arrive $0xFFFF  }
0x5d: {  	p0 =	sne.s32 s1, $0x0;
	_ =	strace $0x90000047  }
0x5e: {  	s0 =	sadd.s32 @!p0 $0x100000, s0;
	[bflag:$0x2] =	sbarrier.arrive $0xFFFF  }
0x5f: {  	[sflag:s0] =	ssyncadd.tile.s32 @!p0 $0x1;
	_ =	shalt  }
.Lfunc_end2:
_tile_overlayer_lowered:
.L_overlay_start_2:
0x60: {  	(tag) =	ssettag $0x2  }
0x61: {  	s0 =	rddreg [dreg:$0x0];
	s2 =	stileid.u32  }
0x62: {  	s1 =	rddreg [dreg:$0x1];
	p0 =	sne.s32 s2, $0x0  }
0x63: {  	s3 =	rddreg [dreg:$0x2];
	[bflag:$0x3] =	sbarrier.arrive $0xFFFF;
	s2 =	simm.s32 @!p0 $0x1C03  }
0x64: {  	[timem:s3], [sflag:s2] =	dma.local @!p0 [hbm:s0], s1  }
0x65: {  	s0 =	simm.s32 @!p0 $0x3  }
0x66: {  	_ =	swait.ge @!p0 [sflag:s0], s1  }
0x67: {  	s1 =	ssub.s32 @!p0 $0x0, s1;
	[sflag:s0] =	ssyncset.done @!p0 $0x0  }
0x68: {  	[sflag:s0] =	ssyncadd.s32 @!p0 s1  }
0x69: {  	[bflag:$0x3] =	sbarrier.arrive $0xFFFF  }
0x6a: {  	_ =	shalt  }

</sc_bundles>
